<compile_context>
chip_gen: v7x
topology: tpu7x:2x2x1
jax: 0.10.2.dev20260603
libtpu: 0.0.44.dev20260713+nightly
codegen_flags: <defaults>
</compile_context>

<pallas_src>
import functools

import jax
import jax.numpy as jnp
from jax import lax
from jax.experimental import pallas as pl
from jax.experimental.pallas import tpu as pltpu
from jax.experimental.pallas import tpu_sc as plsc

D = 128
R, S = 4096, 50
NC, NS = 2, 16
NW = NC * NS
RPW = R // NW
NBUF = 5
LA = 4


def _emb_body(xt_hbm, table_hbm, out_hbm, idx_v, b0, b1, b2, b3, b4,
              isem, g0, g1, g2, g3, g4, w0, w1, w2, w3, w4):
    wid = lax.axis_index("s") * NC + lax.axis_index("c")
    r0 = wid * RPW
    pltpu.async_copy(
        xt_hbm.at[pl.ds(wid * S * RPW, S * RPW)], idx_v, isem).wait()

    bufs = (b0, b1, b2, b3, b4)
    gsem = (g0, g1, g2, g3, g4)
    wsem = (w0, w1, w2, w3, w4)

    def issue_gather(i, k):
        pltpu.async_copy(
            table_hbm.at[idx_v.at[pl.ds(i * RPW, RPW)]], bufs[k], gsem[k])

    def wait_gather(k):
        pltpu.make_async_copy(
            table_hbm.at[pl.ds(0, RPW)], bufs[k], gsem[k]).wait()

    def issue_write(i, k):
        pltpu.async_copy(bufs[k], out_hbm.at[i, pl.ds(r0, RPW)], wsem[k])

    def wait_write(k):
        pltpu.make_async_copy(
            bufs[k], out_hbm.at[0, pl.ds(r0, RPW)], wsem[k]).wait()

    for i in range(LA):
        issue_gather(i, i)

    for k in range(NBUF):
        wait_gather(k)
        if k >= 1:
            wait_write(k - 1)
        if k + LA < 2 * NBUF - 1:
            issue_gather(k + LA, (k + LA) % NBUF)
        issue_write(k, k)

    @pl.loop(NBUF, S - NBUF, step=NBUF)
    def _steady(i0):
        for k in range(NBUF):
            wait_gather(k)
            wait_write((k + LA) % NBUF)
            issue_gather(i0 + k + LA, (k + LA) % NBUF)
            issue_write(i0 + k, k)

    for k in range(NBUF):
        i = S - NBUF + k
        wait_gather(k)
        if k == 0:
            wait_write((k + LA) % NBUF)
            issue_gather(i + LA, (i + LA) % NBUF)
        issue_write(i, k)
    for k in range(NBUF):
        wait_write(k)


_emb = functools.partial(
    pl.kernel,
    out_type=jax.ShapeDtypeStruct((S, R, D), jnp.float32),
    mesh=plsc.VectorSubcoreMesh(core_axis_name="c", subcore_axis_name="s"),
    scratch_types=[
        pltpu.VMEM((S * RPW,), jnp.int32),
        pltpu.VMEM((RPW, D), jnp.float32),
        pltpu.VMEM((RPW, D), jnp.float32),
        pltpu.VMEM((RPW, D), jnp.float32),
        pltpu.VMEM((RPW, D), jnp.float32),
        pltpu.VMEM((RPW, D), jnp.float32),
        pltpu.SemaphoreType.DMA,
        pltpu.SemaphoreType.DMA,
        pltpu.SemaphoreType.DMA,
        pltpu.SemaphoreType.DMA,
        pltpu.SemaphoreType.DMA,
        pltpu.SemaphoreType.DMA,
        pltpu.SemaphoreType.DMA,
        pltpu.SemaphoreType.DMA,
        pltpu.SemaphoreType.DMA,
        pltpu.SemaphoreType.DMA,
        pltpu.SemaphoreType.DMA,
    ],
)(_emb_body)


def kernel(x, table):
    xt = jnp.swapaxes(x.astype(jnp.int32), 0, 1)
    xw = jnp.swapaxes(xt.reshape(S, NW, RPW), 0, 1)
    out = _emb(xw.reshape(-1), table)
    return jnp.swapaxes(out, 0, 1)

# --- scband reference (transcript-rebuilt; emitter-appended) ---
"""Pipeline reference for scband-embedding-35545149342062 (READ-ONLY COPY).

The authoritative reference and input builder live on the scoring server;
editing this copy changes nothing except your own understanding.
"""

import jax, jax.numpy as jnp
import numpy as np

VOCAB = 100000
N_EMBD = 128

def setup_inputs(seed: int = 0) -> dict:
    key = jax.random.key(seed)
    k_idx, k_tab = jax.random.split(key)
    x = jax.random.randint(k_idx, (4096, 50), 0, VOCAB, dtype=jnp.int64 if jax.config.jax_enable_x64 else jnp.int32)
    table = jax.random.normal(k_tab, (VOCAB, N_EMBD), dtype=jnp.float32)
    return {"x": x, "table": table}

def reference(x, table):
    # nn.Embedding forward: gather rows of the embedding table
    return jnp.take(table, x, axis=0)

if __name__ == "__main__":
    import jax
    _d = setup_inputs()
    print(jax.jit(kernel)(*tuple(_d.values())))

</pallas_src>

<mosaic_0001>
#map = affine_map<(d0, d1) -> (0)>
#map1 = affine_map<(d0, d1) -> (0, 0)>
#map2 = affine_map<(d0, d1) -> (0, 0, 0)>
module attributes {stable_mosaic.version = 14 : i64} {
  func.func @_emb_body(%arg0: i32, %arg1: i32, %arg2: memref<204800xi32, #tpu.memory_space<hbm>>, %arg3: memref<100000x128xf32, #tpu.memory_space<hbm>>, %arg4: memref<50x4096x128xf32, #tpu.memory_space<hbm>>, %arg5: memref<6400xi32, #tpu.memory_space<vmem>>, %arg6: memref<128x128xf32, #tpu.memory_space<vmem>>, %arg7: memref<128x128xf32, #tpu.memory_space<vmem>>, %arg8: memref<128x128xf32, #tpu.memory_space<vmem>>, %arg9: memref<128x128xf32, #tpu.memory_space<vmem>>, %arg10: memref<128x128xf32, #tpu.memory_space<vmem>>, %arg11: memref<!tpu.dma_semaphore, #tpu.memory_space<semaphore_mem>>, %arg12: memref<!tpu.dma_semaphore, #tpu.memory_space<semaphore_mem>>, %arg13: memref<!tpu.dma_semaphore, #tpu.memory_space<semaphore_mem>>, %arg14: memref<!tpu.dma_semaphore, #tpu.memory_space<semaphore_mem>>, %arg15: memref<!tpu.dma_semaphore, #tpu.memory_space<semaphore_mem>>, %arg16: memref<!tpu.dma_semaphore, #tpu.memory_space<semaphore_mem>>, %arg17: memref<!tpu.dma_semaphore, #tpu.memory_space<semaphore_mem>>, %arg18: memref<!tpu.dma_semaphore, #tpu.memory_space<semaphore_mem>>, %arg19: memref<!tpu.dma_semaphore, #tpu.memory_space<semaphore_mem>>, %arg20: memref<!tpu.dma_semaphore, #tpu.memory_space<semaphore_mem>>, %arg21: memref<!tpu.dma_semaphore, #tpu.memory_space<semaphore_mem>>) attributes {dimension_semantics = [#tpu.dimension_semantics<core_parallel>, #tpu.dimension_semantics<subcore_parallel>], iteration_bounds = array<i64: 2, 16>, scalar_prefetch = 0 : i64, scratch_operands = 17 : i64, tpu.core_type = #tpu.core_type<sc_vector_subcore>, window_params = [{transform_indices = #map}, {transform_indices = #map1}, {transform_indices = #map2}]} {
    %mul3A = arith.constant 2 : i32
    %mul3A_0 = arith.muli %arg1, %mul3A : i32
    %add3A = arith.addi %mul3A_0, %arg0 : i32
    %mul3A_1 = arith.constant 128 : i32
    %mul3A_2 = arith.muli %add3A, %mul3A_1 : i32
    %mul3A_3 = arith.constant 50 : i32
    %mul3A_4 = arith.muli %add3A, %mul3A_3 : i32
    %mul3A_5 = arith.constant 128 : i32
    %mul3A_6 = arith.muli %mul3A_4, %mul3A_5 : i32
    %dma_start3A = tpu.memref_slice %arg2[%mul3A_6] : memref<204800xi32, #tpu.memory_space<hbm>> -> memref<6400xi32, #tpu.memory_space<hbm>>
    %dma_start3A_7 = tpu.memref_slice %arg2[%mul3A_6] : memref<204800xi32, #tpu.memory_space<hbm>> -> memref<6400xi32, #tpu.memory_space<hbm>>
    tpu.enqueue_dma source(%dma_start3A_7 : memref<6400xi32, #tpu.memory_space<hbm>>) target(%arg5 : memref<6400xi32, #tpu.memory_space<vmem>>) target_semaphore(%arg11 : memref<!tpu.dma_semaphore, #tpu.memory_space<semaphore_mem>>)
    %dma_wait3A = tpu.memref_slice %arg2[%mul3A_6] : memref<204800xi32, #tpu.memory_space<hbm>> -> memref<6400xi32, #tpu.memory_space<hbm>>
    %dma_wait3A_8 = tpu.memref_slice %arg2[%mul3A_6] : memref<204800xi32, #tpu.memory_space<hbm>> -> memref<6400xi32, #tpu.memory_space<hbm>>
    tpu.wait_dma2 semaphore(%arg11 : memref<!tpu.dma_semaphore, #tpu.memory_space<semaphore_mem>>) src(%dma_wait3A_8 : memref<6400xi32, #tpu.memory_space<hbm>>) dst(%arg5 : memref<6400xi32, #tpu.memory_space<vmem>>)
    %dma_start3A_9 = arith.constant 0 : i32
    %dma_start3A_10 = tpu.memref_slice %arg5[%dma_start3A_9] : memref<6400xi32, #tpu.memory_space<vmem>> -> memref<128xi32, #tpu.memory_space<vmem>>
    %dma_start3A_11 = arith.constant 0 : i32
    %dma_start3A_12 = arith.constant 0 : i32
    %dma_start3A_13 = tpu.memref_slice %arg3[%dma_start3A_11, %dma_start3A_12] : memref<100000x128xf32, #tpu.memory_space<hbm>> -> memref<100000x128xf32, #tpu.memory_space<hbm>>
    tpu.enqueue_indirect_dma source(%dma_start3A_13 : memref<100000x128xf32, #tpu.memory_space<hbm>>) target(%arg6 : memref<128x128xf32, #tpu.memory_space<vmem>>) offsets(%dma_start3A_10 : memref<128xi32, #tpu.memory_space<vmem>>) semaphore(%arg12 : memref<!tpu.dma_semaphore, #tpu.memory_space<semaphore_mem>>)
    %dma_start3A_14 = arith.constant 128 : i32
    %dma_start3A_15 = tpu.memref_slice %arg5[%dma_start3A_14] : memref<6400xi32, #tpu.memory_space<vmem>> -> memref<128xi32, #tpu.memory_space<vmem>>
    %dma_start3A_16 = arith.constant 0 : i32
    %dma_start3A_17 = arith.constant 0 : i32
    %dma_start3A_18 = tpu.memref_slice %arg3[%dma_start3A_16, %dma_start3A_17] : memref<100000x128xf32, #tpu.memory_space<hbm>> -> memref<100000x128xf32, #tpu.memory_space<hbm>>
    tpu.enqueue_indirect_dma source(%dma_start3A_18 : memref<100000x128xf32, #tpu.memory_space<hbm>>) target(%arg7 : memref<128x128xf32, #tpu.memory_space<vmem>>) offsets(%dma_start3A_15 : memref<128xi32, #tpu.memory_space<vmem>>) semaphore(%arg13 : memref<!tpu.dma_semaphore, #tpu.memory_space<semaphore_mem>>)
    %dma_start3A_19 = arith.constant 256 : i32
    %dma_start3A_20 = tpu.memref_slice %arg5[%dma_start3A_19] : memref<6400xi32, #tpu.memory_space<vmem>> -> memref<128xi32, #tpu.memory_space<vmem>>
    %dma_start3A_21 = arith.constant 0 : i32
    %dma_start3A_22 = arith.constant 0 : i32
    %dma_start3A_23 = tpu.memref_slice %arg3[%dma_start3A_21, %dma_start3A_22] : memref<100000x128xf32, #tpu.memory_space<hbm>> -> memref<100000x128xf32, #tpu.memory_space<hbm>>
    tpu.enqueue_indirect_dma source(%dma_start3A_23 : memref<100000x128xf32, #tpu.memory_space<hbm>>) target(%arg8 : memref<128x128xf32, #tpu.memory_space<vmem>>) offsets(%dma_start3A_20 : memref<128xi32, #tpu.memory_space<vmem>>) semaphore(%arg14 : memref<!tpu.dma_semaphore, #tpu.memory_space<semaphore_mem>>)
    %dma_start3A_24 = arith.constant 384 : i32
    %dma_start3A_25 = tpu.memref_slice %arg5[%dma_start3A_24] : memref<6400xi32, #tpu.memory_space<vmem>> -> memref<128xi32, #tpu.memory_space<vmem>>
    %dma_start3A_26 = arith.constant 0 : i32
    %dma_start3A_27 = arith.constant 0 : i32
    %dma_start3A_28 = tpu.memref_slice %arg3[%dma_start3A_26, %dma_start3A_27] : memref<100000x128xf32, #tpu.memory_space<hbm>> -> memref<100000x128xf32, #tpu.memory_space<hbm>>
    tpu.enqueue_indirect_dma source(%dma_start3A_28 : memref<100000x128xf32, #tpu.memory_space<hbm>>) target(%arg9 : memref<128x128xf32, #tpu.memory_space<vmem>>) offsets(%dma_start3A_25 : memref<128xi32, #tpu.memory_space<vmem>>) semaphore(%arg15 : memref<!tpu.dma_semaphore, #tpu.memory_space<semaphore_mem>>)
    %dma_wait3A_29 = arith.constant 0 : i32
    %dma_wait3A_30 = arith.constant 0 : i32
    %dma_wait3A_31 = tpu.memref_slice %arg3[%dma_wait3A_29, %dma_wait3A_30] : memref<100000x128xf32, #tpu.memory_space<hbm>> -> memref<128x128xf32, #tpu.memory_space<hbm>>
    %dma_wait3A_32 = arith.constant 0 : i32
    %dma_wait3A_33 = arith.constant 0 : i32
    %dma_wait3A_34 = tpu.memref_slice %arg3[%dma_wait3A_32, %dma_wait3A_33] : memref<100000x128xf32, #tpu.memory_space<hbm>> -> memref<128x128xf32, #tpu.memory_space<hbm>>
    tpu.wait_dma2 semaphore(%arg12 : memref<!tpu.dma_semaphore, #tpu.memory_space<semaphore_mem>>) src(%dma_wait3A_34 : memref<128x128xf32, #tpu.memory_space<hbm>>) dst(%arg6 : memref<128x128xf32, #tpu.memory_space<vmem>>)
    %dma_start3A_35 = arith.constant 512 : i32
    %dma_start3A_36 = tpu.memref_slice %arg5[%dma_start3A_35] : memref<6400xi32, #tpu.memory_space<vmem>> -> memref<128xi32, #tpu.memory_space<vmem>>
    %dma_start3A_37 = arith.constant 0 : i32
    %dma_start3A_38 = arith.constant 0 : i32
    %dma_start3A_39 = tpu.memref_slice %arg3[%dma_start3A_37, %dma_start3A_38] : memref<100000x128xf32, #tpu.memory_space<hbm>> -> memref<100000x128xf32, #tpu.memory_space<hbm>>
    tpu.enqueue_indirect_dma source(%dma_start3A_39 : memref<100000x128xf32, #tpu.memory_space<hbm>>) target(%arg10 : memref<128x128xf32, #tpu.memory_space<vmem>>) offsets(%dma_start3A_36 : memref<128xi32, #tpu.memory_space<vmem>>) semaphore(%arg16 : memref<!tpu.dma_semaphore, #tpu.memory_space<semaphore_mem>>)
    %dma_start3A_40 = arith.constant 0 : i32
    %dma_start3A_41 = arith.constant 0 : i32
    %dma_start3A_42 = tpu.memref_slice %arg4[%dma_start3A_40, %mul3A_2, %dma_start3A_41] : memref<50x4096x128xf32, #tpu.memory_space<hbm>> -> memref<1x128x128xf32, #tpu.memory_space<hbm>>
    %dma_start3A_43 = tpu.memref_squeeze %dma_start3A_42 : memref<1x128x128xf32, #tpu.memory_space<hbm>> -> memref<128x128xf32, #tpu.memory_space<hbm>>
    %dma_start3A_44 = arith.constant 0 : i32
    %dma_start3A_45 = tpu.memref_slice %arg4[%dma_start3A_40, %mul3A_2, %dma_start3A_44] : memref<50x4096x128xf32, #tpu.memory_space<hbm>> -> memref<1x128x128xf32, #tpu.memory_space<hbm>>
    %dma_start3A_46 = tpu.memref_squeeze %dma_start3A_45 : memref<1x128x128xf32, #tpu.memory_space<hbm>> -> memref<128x128xf32, #tpu.memory_space<hbm>>
    tpu.enqueue_dma source(%arg6 : memref<128x128xf32, #tpu.memory_space<vmem>>) target(%dma_start3A_46 : memref<128x128xf32, #tpu.memory_space<hbm>>) target_semaphore(%arg17 : memref<!tpu.dma_semaphore, #tpu.memory_space<semaphore_mem>>)
    %dma_wait3A_47 = arith.constant 0 : i32
    %dma_wait3A_48 = arith.constant 0 : i32
    %dma_wait3A_49 = tpu.memref_slice %arg3[%dma_wait3A_47, %dma_wait3A_48] : memref<100000x128xf32, #tpu.memory_space<hbm>> -> memref<128x128xf32, #tpu.memory_space<hbm>>
    %dma_wait3A_50 = arith.constant 0 : i32
    %dma_wait3A_51 = arith.constant 0 : i32
    %dma_wait3A_52 = tpu.memref_slice %arg3[%dma_wait3A_50, %dma_wait3A_51] : memref<100000x128xf32, #tpu.memory_space<hbm>> -> memref<128x128xf32, #tpu.memory_space<hbm>>
    tpu.wait_dma2 semaphore(%arg13 : memref<!tpu.dma_semaphore, #tpu.memory_space<semaphore_mem>>) src(%dma_wait3A_52 : memref<128x128xf32, #tpu.memory_space<hbm>>) dst(%arg7 : memref<128x128xf32, #tpu.memory_space<vmem>>)
    %dma_wait3A_53 = arith.constant 0 : i32
    %dma_wait3A_54 = arith.constant 0 : i32
    %dma_wait3A_55 = tpu.memref_slice %arg4[%dma_wait3A_53, %mul3A_2, %dma_wait3A_54] : memref<50x4096x128xf32, #tpu.memory_space<hbm>> -> memref<1x128x128xf32, #tpu.memory_space<hbm>>
    %dma_wait3A_56 = tpu.memref_squeeze %dma_wait3A_55 : memref<1x128x128xf32, #tpu.memory_space<hbm>> -> memref<128x128xf32, #tpu.memory_space<hbm>>
    %dma_wait3A_57 = arith.constant 0 : i32
    %dma_wait3A_58 = tpu.memref_slice %arg4[%dma_wait3A_53, %mul3A_2, %dma_wait3A_57] : memref<50x4096x128xf32, #tpu.memory_space<hbm>> -> memref<1x128x128xf32, #tpu.memory_space<hbm>>
    %dma_wait3A_59 = tpu.memref_squeeze %dma_wait3A_58 : memref<1x128x128xf32, #tpu.memory_space<hbm>> -> memref<128x128xf32, #tpu.memory_space<hbm>>
    tpu.wait_dma2 semaphore(%arg17 : memref<!tpu.dma_semaphore, #tpu.memory_space<semaphore_mem>>) src(%arg6 : memref<128x128xf32, #tpu.memory_space<vmem>>) dst(%dma_wait3A_59 : memref<128x128xf32, #tpu.memory_space<hbm>>)
    %dma_start3A_60 = arith.constant 640 : i32
    %dma_start3A_61 = tpu.memref_slice %arg5[%dma_start3A_60] : memref<6400xi32, #tpu.memory_space<vmem>> -> memref<128xi32, #tpu.memory_space<vmem>>
    %dma_start3A_62 = arith.constant 0 : i32
    %dma_start3A_63 = arith.constant 0 : i32
    %dma_start3A_64 = tpu.memref_slice %arg3[%dma_start3A_62, %dma_start3A_63] : memref<100000x128xf32, #tpu.memory_space<hbm>> -> memref<100000x128xf32, #tpu.memory_space<hbm>>
    tpu.enqueue_indirect_dma source(%dma_start3A_64 : memref<100000x128xf32, #tpu.memory_space<hbm>>) target(%arg6 : memref<128x128xf32, #tpu.memory_space<vmem>>) offsets(%dma_start3A_61 : memref<128xi32, #tpu.memory_space<vmem>>) semaphore(%arg12 : memref<!tpu.dma_semaphore, #tpu.memory_space<semaphore_mem>>)
    %dma_start3A_65 = arith.constant 1 : i32
    %dma_start3A_66 = arith.constant 0 : i32
    %dma_start3A_67 = tpu.memref_slice %arg4[%dma_start3A_65, %mul3A_2, %dma_start3A_66] : memref<50x4096x128xf32, #tpu.memory_space<hbm>> -> memref<1x128x128xf32, #tpu.memory_space<hbm>>
    %dma_start3A_68 = tpu.memref_squeeze %dma_start3A_67 : memref<1x128x128xf32, #tpu.memory_space<hbm>> -> memref<128x128xf32, #tpu.memory_space<hbm>>
    %dma_start3A_69 = arith.constant 0 : i32
    %dma_start3A_70 = tpu.memref_slice %arg4[%dma_start3A_65, %mul3A_2, %dma_start3A_69] : memref<50x4096x128xf32, #tpu.memory_space<hbm>> -> memref<1x128x128xf32, #tpu.memory_space<hbm>>
    %dma_start3A_71 = tpu.memref_squeeze %dma_start3A_70 : memref<1x128x128xf32, #tpu.memory_space<hbm>> -> memref<128x128xf32, #tpu.memory_space<hbm>>
    tpu.enqueue_dma source(%arg7 : memref<128x128xf32, #tpu.memory_space<vmem>>) target(%dma_start3A_71 : memref<128x128xf32, #tpu.memory_space<hbm>>) target_semaphore(%arg18 : memref<!tpu.dma_semaphore, #tpu.memory_space<semaphore_mem>>)
    %dma_wait3A_72 = arith.constant 0 : i32
    %dma_wait3A_73 = arith.constant 0 : i32
    %dma_wait3A_74 = tpu.memref_slice %arg3[%dma_wait3A_72, %dma_wait3A_73] : memref<100000x128xf32, #tpu.memory_space<hbm>> -> memref<128x128xf32, #tpu.memory_space<hbm>>
    %dma_wait3A_75 = arith.constant 0 : i32
    %dma_wait3A_76 = arith.constant 0 : i32
    %dma_wait3A_77 = tpu.memref_slice %arg3[%dma_wait3A_75, %dma_wait3A_76] : memref<100000x128xf32, #tpu.memory_space<hbm>> -> memref<128x128xf32, #tpu.memory_space<hbm>>
    tpu.wait_dma2 semaphore(%arg14 : memref<!tpu.dma_semaphore, #tpu.memory_space<semaphore_mem>>) src(%dma_wait3A_77 : memref<128x128xf32, #tpu.memory_space<hbm>>) dst(%arg8 : memref<128x128xf32, #tpu.memory_space<vmem>>)
    %dma_wait3A_78 = arith.constant 0 : i32
    %dma_wait3A_79 = arith.constant 0 : i32
    %dma_wait3A_80 = tpu.memref_slice %arg4[%dma_wait3A_78, %mul3A_2, %dma_wait3A_79] : memref<50x4096x128xf32, #tpu.memory_space<hbm>> -> memref<1x128x128xf32, #tpu.memory_space<hbm>>
    %dma_wait3A_81 = tpu.memref_squeeze %dma_wait3A_80 : memref<1x128x128xf32, #tpu.memory_space<hbm>> -> memref<128x128xf32, #tpu.memory_space<hbm>>
    %dma_wait3A_82 = arith.constant 0 : i32
    %dma_wait3A_83 = tpu.memref_slice %arg4[%dma_wait3A_78, %mul3A_2, %dma_wait3A_82] : memref<50x4096x128xf32, #tpu.memory_space<hbm>> -> memref<1x128x128xf32, #tpu.memory_space<hbm>>
    %dma_wait3A_84 = tpu.memref_squeeze %dma_wait3A_83 : memref<1x128x128xf32, #tpu.memory_space<hbm>> -> memref<128x128xf32, #tpu.memory_space<hbm>>
    tpu.wait_dma2 semaphore(%arg18 : memref<!tpu.dma_semaphore, #tpu.memory_space<semaphore_mem>>) src(%arg7 : memref<128x128xf32, #tpu.memory_space<vmem>>) dst(%dma_wait3A_84 : memref<128x128xf32, #tpu.memory_space<hbm>>)
    %dma_start3A_85 = arith.constant 768 : i32
    %dma_start3A_86 = tpu.memref_slice %arg5[%dma_start3A_85] : memref<6400xi32, #tpu.memory_space<vmem>> -> memref<128xi32, #tpu.memory_space<vmem>>
    %dma_start3A_87 = arith.constant 0 : i32
    %dma_start3A_88 = arith.constant 0 : i32
    %dma_start3A_89 = tpu.memref_slice %arg3[%dma_start3A_87, %dma_start3A_88] : memref<100000x128xf32, #tpu.memory_space<hbm>> -> memref<100000x128xf32, #tpu.memory_space<hbm>>
    tpu.enqueue_indirect_dma source(%dma_start3A_89 : memref<100000x128xf32, #tpu.memory_space<hbm>>) target(%arg7 : memref<128x128xf32, #tpu.memory_space<vmem>>) offsets(%dma_start3A_86 : memref<128xi32, #tpu.memory_space<vmem>>) semaphore(%arg13 : memref<!tpu.dma_semaphore, #tpu.memory_space<semaphore_mem>>)
    %dma_start3A_90 = arith.constant 2 : i32
    %dma_start3A_91 = arith.constant 0 : i32
    %dma_start3A_92 = tpu.memref_slice %arg4[%dma_start3A_90, %mul3A_2, %dma_start3A_91] : memref<50x4096x128xf32, #tpu.memory_space<hbm>> -> memref<1x128x128xf32, #tpu.memory_space<hbm>>
    %dma_start3A_93 = tpu.memref_squeeze %dma_start3A_92 : memref<1x128x128xf32, #tpu.memory_space<hbm>> -> memref<128x128xf32, #tpu.memory_space<hbm>>
    %dma_start3A_94 = arith.constant 0 : i32
    %dma_start3A_95 = tpu.memref_slice %arg4[%dma_start3A_90, %mul3A_2, %dma_start3A_94] : memref<50x4096x128xf32, #tpu.memory_space<hbm>> -> memref<1x128x128xf32, #tpu.memory_space<hbm>>
    %dma_start3A_96 = tpu.memref_squeeze %dma_start3A_95 : memref<1x128x128xf32, #tpu.memory_space<hbm>> -> memref<128x128xf32, #tpu.memory_space<hbm>>
    tpu.enqueue_dma source(%arg8 : memref<128x128xf32, #tpu.memory_space<vmem>>) target(%dma_start3A_96 : memref<128x128xf32, #tpu.memory_space<hbm>>) target_semaphore(%arg19 : memref<!tpu.dma_semaphore, #tpu.memory_space<semaphore_mem>>)
    %dma_wait3A_97 = arith.constant 0 : i32
    %dma_wait3A_98 = arith.constant 0 : i32
    %dma_wait3A_99 = tpu.memref_slice %arg3[%dma_wait3A_97, %dma_wait3A_98] : memref<100000x128xf32, #tpu.memory_space<hbm>> -> memref<128x128xf32, #tpu.memory_space<hbm>>
    %dma_wait3A_100 = arith.constant 0 : i32
    %dma_wait3A_101 = arith.constant 0 : i32
    %dma_wait3A_102 = tpu.memref_slice %arg3[%dma_wait3A_100, %dma_wait3A_101] : memref<100000x128xf32, #tpu.memory_space<hbm>> -> memref<128x128xf32, #tpu.memory_space<hbm>>
    tpu.wait_dma2 semaphore(%arg15 : memref<!tpu.dma_semaphore, #tpu.memory_space<semaphore_mem>>) src(%dma_wait3A_102 : memref<128x128xf32, #tpu.memory_space<hbm>>) dst(%arg9 : memref<128x128xf32, #tpu.memory_space<vmem>>)
    %dma_wait3A_103 = arith.constant 0 : i32
    %dma_wait3A_104 = arith.constant 0 : i32
    %dma_wait3A_105 = tpu.memref_slice %arg4[%dma_wait3A_103, %mul3A_2, %dma_wait3A_104] : memref<50x4096x128xf32, #tpu.memory_space<hbm>> -> memref<1x128x128xf32, #tpu.memory_space<hbm>>
    %dma_wait3A_106 = tpu.memref_squeeze %dma_wait3A_105 : memref<1x128x128xf32, #tpu.memory_space<hbm>> -> memref<128x128xf32, #tpu.memory_space<hbm>>
    %dma_wait3A_107 = arith.constant 0 : i32
    %dma_wait3A_108 = tpu.memref_slice %arg4[%dma_wait3A_103, %mul3A_2, %dma_wait3A_107] : memref<50x4096x128xf32, #tpu.memory_space<hbm>> -> memref<1x128x128xf32, #tpu.memory_space<hbm>>
    %dma_wait3A_109 = tpu.memref_squeeze %dma_wait3A_108 : memref<1x128x128xf32, #tpu.memory_space<hbm>> -> memref<128x128xf32, #tpu.memory_space<hbm>>
    tpu.wait_dma2 semaphore(%arg19 : memref<!tpu.dma_semaphore, #tpu.memory_space<semaphore_mem>>) src(%arg8 : memref<128x128xf32, #tpu.memory_space<vmem>>) dst(%dma_wait3A_109 : memref<128x128xf32, #tpu.memory_space<hbm>>)
    %dma_start3A_110 = arith.constant 896 : i32
    %dma_start3A_111 = tpu.memref_slice %arg5[%dma_start3A_110] : memref<6400xi32, #tpu.memory_space<vmem>> -> memref<128xi32, #tpu.memory_space<vmem>>
    %dma_start3A_112 = arith.constant 0 : i32
    %dma_start3A_113 = arith.constant 0 : i32
    %dma_start3A_114 = tpu.memref_slice %arg3[%dma_start3A_112, %dma_start3A_113] : memref<100000x128xf32, #tpu.memory_space<hbm>> -> memref<100000x128xf32, #tpu.memory_space<hbm>>
    tpu.enqueue_indirect_dma source(%dma_start3A_114 : memref<100000x128xf32, #tpu.memory_space<hbm>>) target(%arg8 : memref<128x128xf32, #tpu.memory_space<vmem>>) offsets(%dma_start3A_111 : memref<128xi32, #tpu.memory_space<vmem>>) semaphore(%arg14 : memref<!tpu.dma_semaphore, #tpu.memory_space<semaphore_mem>>)
    %dma_start3A_115 = arith.constant 3 : i32
    %dma_start3A_116 = arith.constant 0 : i32
    %dma_start3A_117 = tpu.memref_slice %arg4[%dma_start3A_115, %mul3A_2, %dma_start3A_116] : memref<50x4096x128xf32, #tpu.memory_space<hbm>> -> memref<1x128x128xf32, #tpu.memory_space<hbm>>
    %dma_start3A_118 = tpu.memref_squeeze %dma_start3A_117 : memref<1x128x128xf32, #tpu.memory_space<hbm>> -> memref<128x128xf32, #tpu.memory_space<hbm>>
    %dma_start3A_119 = arith.constant 0 : i32
    %dma_start3A_120 = tpu.memref_slice %arg4[%dma_start3A_115, %mul3A_2, %dma_start3A_119] : memref<50x4096x128xf32, #tpu.memory_space<hbm>> -> memref<1x128x128xf32, #tpu.memory_space<hbm>>
    %dma_start3A_121 = tpu.memref_squeeze %dma_start3A_120 : memref<1x128x128xf32, #tpu.memory_space<hbm>> -> memref<128x128xf32, #tpu.memory_space<hbm>>
    tpu.enqueue_dma source(%arg9 : memref<128x128xf32, #tpu.memory_space<vmem>>) target(%dma_start3A_121 : memref<128x128xf32, #tpu.memory_space<hbm>>) target_semaphore(%arg20 : memref<!tpu.dma_semaphore, #tpu.memory_space<semaphore_mem>>)
    %dma_wait3A_122 = arith.constant 0 : i32
    %dma_wait3A_123 = arith.constant 0 : i32
    %dma_wait3A_124 = tpu.memref_slice %arg3[%dma_wait3A_122, %dma_wait3A_123] : memref<100000x128xf32, #tpu.memory_space<hbm>> -> memref<128x128xf32, #tpu.memory_space<hbm>>
    %dma_wait3A_125 = arith.constant 0 : i32
    %dma_wait3A_126 = arith.constant 0 : i32
    %dma_wait3A_127 = tpu.memref_slice %arg3[%dma_wait3A_125, %dma_wait3A_126] : memref<100000x128xf32, #tpu.memory_space<hbm>> -> memref<128x128xf32, #tpu.memory_space<hbm>>
    tpu.wait_dma2 semaphore(%arg16 : memref<!tpu.dma_semaphore, #tpu.memory_space<semaphore_mem>>) src(%dma_wait3A_127 : memref<128x128xf32, #tpu.memory_space<hbm>>) dst(%arg10 : memref<128x128xf32, #tpu.memory_space<vmem>>)
    %dma_wait3A_128 = arith.constant 0 : i32
    %dma_wait3A_129 = arith.constant 0 : i32
    %dma_wait3A_130 = tpu.memref_slice %arg4[%dma_wait3A_128, %mul3A_2, %dma_wait3A_129] : memref<50x4096x128xf32, #tpu.memory_space<hbm>> -> memref<1x128x128xf32, #tpu.memory_space<hbm>>
    %dma_wait3A_131 = tpu.memref_squeeze %dma_wait3A_130 : memref<1x128x128xf32, #tpu.memory_space<hbm>> -> memref<128x128xf32, #tpu.memory_space<hbm>>
    %dma_wait3A_132 = arith.constant 0 : i32
    %dma_wait3A_133 = tpu.memref_slice %arg4[%dma_wait3A_128, %mul3A_2, %dma_wait3A_132] : memref<50x4096x128xf32, #tpu.memory_space<hbm>> -> memref<1x128x128xf32, #tpu.memory_space<hbm>>
    %dma_wait3A_134 = tpu.memref_squeeze %dma_wait3A_133 : memref<1x128x128xf32, #tpu.memory_space<hbm>> -> memref<128x128xf32, #tpu.memory_space<hbm>>
    tpu.wait_dma2 semaphore(%arg20 : memref<!tpu.dma_semaphore, #tpu.memory_space<semaphore_mem>>) src(%arg9 : memref<128x128xf32, #tpu.memory_space<vmem>>) dst(%dma_wait3A_134 : memref<128x128xf32, #tpu.memory_space<hbm>>)
    %dma_start3A_135 = arith.constant 1024 : i32
    %dma_start3A_136 = tpu.memref_slice %arg5[%dma_start3A_135] : memref<6400xi32, #tpu.memory_space<vmem>> -> memref<128xi32, #tpu.memory_space<vmem>>
    %dma_start3A_137 = arith.constant 0 : i32
    %dma_start3A_138 = arith.constant 0 : i32
    %dma_start3A_139 = tpu.memref_slice %arg3[%dma_start3A_137, %dma_start3A_138] : memref<100000x128xf32, #tpu.memory_space<hbm>> -> memref<100000x128xf32, #tpu.memory_space<hbm>>
    tpu.enqueue_indirect_dma source(%dma_start3A_139 : memref<100000x128xf32, #tpu.memory_space<hbm>>) target(%arg9 : memref<128x128xf32, #tpu.memory_space<vmem>>) offsets(%dma_start3A_136 : memref<128xi32, #tpu.memory_space<vmem>>) semaphore(%arg15 : memref<!tpu.dma_semaphore, #tpu.memory_space<semaphore_mem>>)
    %dma_start3A_140 = arith.constant 4 : i32
    %dma_start3A_141 = arith.constant 0 : i32
    %dma_start3A_142 = tpu.memref_slice %arg4[%dma_start3A_140, %mul3A_2, %dma_start3A_141] : memref<50x4096x128xf32, #tpu.memory_space<hbm>> -> memref<1x128x128xf32, #tpu.memory_space<hbm>>
    %dma_start3A_143 = tpu.memref_squeeze %dma_start3A_142 : memref<1x128x128xf32, #tpu.memory_space<hbm>> -> memref<128x128xf32, #tpu.memory_space<hbm>>
    %dma_start3A_144 = arith.constant 0 : i32
    %dma_start3A_145 = tpu.memref_slice %arg4[%dma_start3A_140, %mul3A_2, %dma_start3A_144] : memref<50x4096x128xf32, #tpu.memory_space<hbm>> -> memref<1x128x128xf32, #tpu.memory_space<hbm>>
    %dma_start3A_146 = tpu.memref_squeeze %dma_start3A_145 : memref<1x128x128xf32, #tpu.memory_space<hbm>> -> memref<128x128xf32, #tpu.memory_space<hbm>>
    tpu.enqueue_dma source(%arg10 : memref<128x128xf32, #tpu.memory_space<vmem>>) target(%dma_start3A_146 : memref<128x128xf32, #tpu.memory_space<hbm>>) target_semaphore(%arg21 : memref<!tpu.dma_semaphore, #tpu.memory_space<semaphore_mem>>)
    %scan3A = arith.constant 0 : i32
    %scan3A_147 = arith.constant 8 : i32
    %scan3A_148 = arith.addi %scan3A, %scan3A_147 : i32
    %scan3A_149 = arith.constant 1 : i32
    scf.for %scan3A_263 = %scan3A to %scan3A_148 step %scan3A_149  : i32 {
      %mul3A_264 = arith.constant 5 : i32
      %mul3A_265 = arith.muli %scan3A_263, %mul3A_264 : i32
      %add3A_266 = arith.constant 5 : i32
      %add3A_267 = arith.addi %add3A_266, %mul3A_265 : i32
      %dma_wait3A_268 = arith.constant 0 : i32
      %dma_wait3A_269 = arith.constant 0 : i32
      %dma_wait3A_270 = tpu.memref_slice %arg3[%dma_wait3A_268, %dma_wait3A_269] : memref<100000x128xf32, #tpu.memory_space<hbm>> -> memref<128x128xf32, #tpu.memory_space<hbm>>
      %dma_wait3A_271 = arith.constant 0 : i32
      %dma_wait3A_272 = arith.constant 0 : i32
      %dma_wait3A_273 = tpu.memref_slice %arg3[%dma_wait3A_271, %dma_wait3A_272] : memref<100000x128xf32, #tpu.memory_space<hbm>> -> memref<128x128xf32, #tpu.memory_space<hbm>>
      tpu.wait_dma2 semaphore(%arg12 : memref<!tpu.dma_semaphore, #tpu.memory_space<semaphore_mem>>) src(%dma_wait3A_273 : memref<128x128xf32, #tpu.memory_space<hbm>>) dst(%arg6 : memref<128x128xf32, #tpu.memory_space<vmem>>)
      %dma_wait3A_274 = arith.constant 0 : i32
      %dma_wait3A_275 = arith.constant 0 : i32
      %dma_wait3A_276 = tpu.memref_slice %arg4[%dma_wait3A_274, %mul3A_2, %dma_wait3A_275] : memref<50x4096x128xf32, #tpu.memory_space<hbm>> -> memref<1x128x128xf32, #tpu.memory_space<hbm>>
      %dma_wait3A_277 = tpu.memref_squeeze %dma_wait3A_276 : memref<1x128x128xf32, #tpu.memory_space<hbm>> -> memref<128x128xf32, #tpu.memory_space<hbm>>
      %dma_wait3A_278 = arith.constant 0 : i32
      %dma_wait3A_279 = tpu.memref_slice %arg4[%dma_wait3A_274, %mul3A_2, %dma_wait3A_278] : memref<50x4096x128xf32, #tpu.memory_space<hbm>> -> memref<1x128x128xf32, #tpu.memory_space<hbm>>
      %dma_wait3A_280 = tpu.memref_squeeze %dma_wait3A_279 : memref<1x128x128xf32, #tpu.memory_space<hbm>> -> memref<128x128xf32, #tpu.memory_space<hbm>>
      tpu.wait_dma2 semaphore(%arg21 : memref<!tpu.dma_semaphore, #tpu.memory_space<semaphore_mem>>) src(%arg10 : memref<128x128xf32, #tpu.memory_space<vmem>>) dst(%dma_wait3A_280 : memref<128x128xf32, #tpu.memory_space<hbm>>)
      %add3A_281 = arith.constant 0 : i32
      %add3A_282 = arith.addi %add3A_267, %add3A_281 : i32
      %add3A_283 = arith.constant 4 : i32
      %add3A_284 = arith.addi %add3A_282, %add3A_283 : i32
      %mul3A_285 = arith.constant 128 : i32
      %mul3A_286 = arith.muli %add3A_284, %mul3A_285 : i32
      %dma_start3A_287 = tpu.memref_slice %arg5[%mul3A_286] : memref<6400xi32, #tpu.memory_space<vmem>> -> memref<128xi32, #tpu.memory_space<vmem>>
      %dma_start3A_288 = arith.constant 0 : i32
      %dma_start3A_289 = arith.constant 0 : i32
      %dma_start3A_290 = tpu.memref_slice %arg3[%dma_start3A_288, %dma_start3A_289] : memref<100000x128xf32, #tpu.memory_space<hbm>> -> memref<100000x128xf32, #tpu.memory_space<hbm>>
      tpu.enqueue_indirect_dma source(%dma_start3A_290 : memref<100000x128xf32, #tpu.memory_space<hbm>>) target(%arg10 : memref<128x128xf32, #tpu.memory_space<vmem>>) offsets(%dma_start3A_287 : memref<128xi32, #tpu.memory_space<vmem>>) semaphore(%arg16 : memref<!tpu.dma_semaphore, #tpu.memory_space<semaphore_mem>>)
      %add3A_291 = arith.constant 0 : i32
      %add3A_292 = arith.addi %add3A_267, %add3A_291 : i32
      %dma_start3A_293 = arith.constant 0 : i32
      %dma_start3A_294 = tpu.memref_slice %arg4[%add3A_292, %mul3A_2, %dma_start3A_293] : memref<50x4096x128xf32, #tpu.memory_space<hbm>> -> memref<1x128x128xf32, #tpu.memory_space<hbm>>
      %dma_start3A_295 = tpu.memref_squeeze %dma_start3A_294 : memref<1x128x128xf32, #tpu.memory_space<hbm>> -> memref<128x128xf32, #tpu.memory_space<hbm>>
      %dma_start3A_296 = arith.constant 0 : i32
      %dma_start3A_297 = tpu.memref_slice %arg4[%add3A_292, %mul3A_2, %dma_start3A_296] : memref<50x4096x128xf32, #tpu.memory_space<hbm>> -> memref<1x128x128xf32, #tpu.memory_space<hbm>>
      %dma_start3A_298 = tpu.memref_squeeze %dma_start3A_297 : memref<1x128x128xf32, #tpu.memory_space<hbm>> -> memref<128x128xf32, #tpu.memory_space<hbm>>
      tpu.enqueue_dma source(%arg6 : memref<128x128xf32, #tpu.memory_space<vmem>>) target(%dma_start3A_298 : memref<128x128xf32, #tpu.memory_space<hbm>>) target_semaphore(%arg17 : memref<!tpu.dma_semaphore, #tpu.memory_space<semaphore_mem>>)
      %dma_wait3A_299 = arith.constant 0 : i32
      %dma_wait3A_300 = arith.constant 0 : i32
      %dma_wait3A_301 = tpu.memref_slice %arg3[%dma_wait3A_299, %dma_wait3A_300] : memref<100000x128xf32, #tpu.memory_space<hbm>> -> memref<128x128xf32, #tpu.memory_space<hbm>>
      %dma_wait3A_302 = arith.constant 0 : i32
      %dma_wait3A_303 = arith.constant 0 : i32
      %dma_wait3A_304 = tpu.memref_slice %arg3[%dma_wait3A_302, %dma_wait3A_303] : memref<100000x128xf32, #tpu.memory_space<hbm>> -> memref<128x128xf32, #tpu.memory_space<hbm>>
      tpu.wait_dma2 semaphore(%arg13 : memref<!tpu.dma_semaphore, #tpu.memory_space<semaphore_mem>>) src(%dma_wait3A_304 : memref<128x128xf32, #tpu.memory_space<hbm>>) dst(%arg7 : memref<128x128xf32, #tpu.memory_space<vmem>>)
      %dma_wait3A_305 = arith.constant 0 : i32
      %dma_wait3A_306 = arith.constant 0 : i32
      %dma_wait3A_307 = tpu.memref_slice %arg4[%dma_wait3A_305, %mul3A_2, %dma_wait3A_306] : memref<50x4096x128xf32, #tpu.memory_space<hbm>> -> memref<1x128x128xf32, #tpu.memory_space<hbm>>
      %dma_wait3A_308 = tpu.memref_squeeze %dma_wait3A_307 : memref<1x128x128xf32, #tpu.memory_space<hbm>> -> memref<128x128xf32, #tpu.memory_space<hbm>>
      %dma_wait3A_309 = arith.constant 0 : i32
      %dma_wait3A_310 = tpu.memref_slice %arg4[%dma_wait3A_305, %mul3A_2, %dma_wait3A_309] : memref<50x4096x128xf32, #tpu.memory_space<hbm>> -> memref<1x128x128xf32, #tpu.memory_space<hbm>>
      %dma_wait3A_311 = tpu.memref_squeeze %dma_wait3A_310 : memref<1x128x128xf32, #tpu.memory_space<hbm>> -> memref<128x128xf32, #tpu.memory_space<hbm>>
      tpu.wait_dma2 semaphore(%arg17 : memref<!tpu.dma_semaphore, #tpu.memory_space<semaphore_mem>>) src(%arg6 : memref<128x128xf32, #tpu.memory_space<vmem>>) dst(%dma_wait3A_311 : memref<128x128xf32, #tpu.memory_space<hbm>>)
      %add3A_312 = arith.constant 1 : i32
      %add3A_313 = arith.addi %add3A_267, %add3A_312 : i32
      %add3A_314 = arith.constant 4 : i32
      %add3A_315 = arith.addi %add3A_313, %add3A_314 : i32
      %mul3A_316 = arith.constant 128 : i32
      %mul3A_317 = arith.muli %add3A_315, %mul3A_316 : i32
      %dma_start3A_318 = tpu.memref_slice %arg5[%mul3A_317] : memref<6400xi32, #tpu.memory_space<vmem>> -> memref<128xi32, #tpu.memory_space<vmem>>
      %dma_start3A_319 = arith.constant 0 : i32
      %dma_start3A_320 = arith.constant 0 : i32
      %dma_start3A_321 = tpu.memref_slice %arg3[%dma_start3A_319, %dma_start3A_320] : memref<100000x128xf32, #tpu.memory_space<hbm>> -> memref<100000x128xf32, #tpu.memory_space<hbm>>
      tpu.enqueue_indirect_dma source(%dma_start3A_321 : memref<100000x128xf32, #tpu.memory_space<hbm>>) target(%arg6 : memref<128x128xf32, #tpu.memory_space<vmem>>) offsets(%dma_start3A_318 : memref<128xi32, #tpu.memory_space<vmem>>) semaphore(%arg12 : memref<!tpu.dma_semaphore, #tpu.memory_space<semaphore_mem>>)
      %add3A_322 = arith.constant 1 : i32
      %add3A_323 = arith.addi %add3A_267, %add3A_322 : i32
      %dma_start3A_324 = arith.constant 0 : i32
      %dma_start3A_325 = tpu.memref_slice %arg4[%add3A_323, %mul3A_2, %dma_start3A_324] : memref<50x4096x128xf32, #tpu.memory_space<hbm>> -> memref<1x128x128xf32, #tpu.memory_space<hbm>>
      %dma_start3A_326 = tpu.memref_squeeze %dma_start3A_325 : memref<1x128x128xf32, #tpu.memory_space<hbm>> -> memref<128x128xf32, #tpu.memory_space<hbm>>
      %dma_start3A_327 = arith.constant 0 : i32
      %dma_start3A_328 = tpu.memref_slice %arg4[%add3A_323, %mul3A_2, %dma_start3A_327] : memref<50x4096x128xf32, #tpu.memory_space<hbm>> -> memref<1x128x128xf32, #tpu.memory_space<hbm>>
      %dma_start3A_329 = tpu.memref_squeeze %dma_start3A_328 : memref<1x128x128xf32, #tpu.memory_space<hbm>> -> memref<128x128xf32, #tpu.memory_space<hbm>>
      tpu.enqueue_dma source(%arg7 : memref<128x128xf32, #tpu.memory_space<vmem>>) target(%dma_start3A_329 : memref<128x128xf32, #tpu.memory_space<hbm>>) target_semaphore(%arg18 : memref<!tpu.dma_semaphore, #tpu.memory_space<semaphore_mem>>)
      %dma_wait3A_330 = arith.constant 0 : i32
      %dma_wait3A_331 = arith.constant 0 : i32
      %dma_wait3A_332 = tpu.memref_slice %arg3[%dma_wait3A_330, %dma_wait3A_331] : memref<100000x128xf32, #tpu.memory_space<hbm>> -> memref<128x128xf32, #tpu.memory_space<hbm>>
      %dma_wait3A_333 = arith.constant 0 : i32
      %dma_wait3A_334 = arith.constant 0 : i32
      %dma_wait3A_335 = tpu.memref_slice %arg3[%dma_wait3A_333, %dma_wait3A_334] : memref<100000x128xf32, #tpu.memory_space<hbm>> -> memref<128x128xf32, #tpu.memory_space<hbm>>
      tpu.wait_dma2 semaphore(%arg14 : memref<!tpu.dma_semaphore, #tpu.memory_space<semaphore_mem>>) src(%dma_wait3A_335 : memref<128x128xf32, #tpu.memory_space<hbm>>) dst(%arg8 : memref<128x128xf32, #tpu.memory_space<vmem>>)
      %dma_wait3A_336 = arith.constant 0 : i32
      %dma_wait3A_337 = arith.constant 0 : i32
      %dma_wait3A_338 = tpu.memref_slice %arg4[%dma_wait3A_336, %mul3A_2, %dma_wait3A_337] : memref<50x4096x128xf32, #tpu.memory_space<hbm>> -> memref<1x128x128xf32, #tpu.memory_space<hbm>>
      %dma_wait3A_339 = tpu.memref_squeeze %dma_wait3A_338 : memref<1x128x128xf32, #tpu.memory_space<hbm>> -> memref<128x128xf32, #tpu.memory_space<hbm>>
      %dma_wait3A_340 = arith.constant 0 : i32
      %dma_wait3A_341 = tpu.memref_slice %arg4[%dma_wait3A_336, %mul3A_2, %dma_wait3A_340] : memref<50x4096x128xf32, #tpu.memory_space<hbm>> -> memref<1x128x128xf32, #tpu.memory_space<hbm>>
      %dma_wait3A_342 = tpu.memref_squeeze %dma_wait3A_341 : memref<1x128x128xf32, #tpu.memory_space<hbm>> -> memref<128x128xf32, #tpu.memory_space<hbm>>
      tpu.wait_dma2 semaphore(%arg18 : memref<!tpu.dma_semaphore, #tpu.memory_space<semaphore_mem>>) src(%arg7 : memref<128x128xf32, #tpu.memory_space<vmem>>) dst(%dma_wait3A_342 : memref<128x128xf32, #tpu.memory_space<hbm>>)
      %add3A_343 = arith.constant 2 : i32
      %add3A_344 = arith.addi %add3A_267, %add3A_343 : i32
      %add3A_345 = arith.constant 4 : i32
      %add3A_346 = arith.addi %add3A_344, %add3A_345 : i32
      %mul3A_347 = arith.constant 128 : i32
      %mul3A_348 = arith.muli %add3A_346, %mul3A_347 : i32
      %dma_start3A_349 = tpu.memref_slice %arg5[%mul3A_348] : memref<6400xi32, #tpu.memory_space<vmem>> -> memref<128xi32, #tpu.memory_space<vmem>>
      %dma_start3A_350 = arith.constant 0 : i32
      %dma_start3A_351 = arith.constant 0 : i32
      %dma_start3A_352 = tpu.memref_slice %arg3[%dma_start3A_350, %dma_start3A_351] : memref<100000x128xf32, #tpu.memory_space<hbm>> -> memref<100000x128xf32, #tpu.memory_space<hbm>>
      tpu.enqueue_indirect_dma source(%dma_start3A_352 : memref<100000x128xf32, #tpu.memory_space<hbm>>) target(%arg7 : memref<128x128xf32, #tpu.memory_space<vmem>>) offsets(%dma_start3A_349 : memref<128xi32, #tpu.memory_space<vmem>>) semaphore(%arg13 : memref<!tpu.dma_semaphore, #tpu.memory_space<semaphore_mem>>)
      %add3A_353 = arith.constant 2 : i32
      %add3A_354 = arith.addi %add3A_267, %add3A_353 : i32
      %dma_start3A_355 = arith.constant 0 : i32
      %dma_start3A_356 = tpu.memref_slice %arg4[%add3A_354, %mul3A_2, %dma_start3A_355] : memref<50x4096x128xf32, #tpu.memory_space<hbm>> -> memref<1x128x128xf32, #tpu.memory_space<hbm>>
      %dma_start3A_357 = tpu.memref_squeeze %dma_start3A_356 : memref<1x128x128xf32, #tpu.memory_space<hbm>> -> memref<128x128xf32, #tpu.memory_space<hbm>>
      %dma_start3A_358 = arith.constant 0 : i32
      %dma_start3A_359 = tpu.memref_slice %arg4[%add3A_354, %mul3A_2, %dma_start3A_358] : memref<50x4096x128xf32, #tpu.memory_space<hbm>> -> memref<1x128x128xf32, #tpu.memory_space<hbm>>
      %dma_start3A_360 = tpu.memref_squeeze %dma_start3A_359 : memref<1x128x128xf32, #tpu.memory_space<hbm>> -> memref<128x128xf32, #tpu.memory_space<hbm>>
      tpu.enqueue_dma source(%arg8 : memref<128x128xf32, #tpu.memory_space<vmem>>) target(%dma_start3A_360 : memref<128x128xf32, #tpu.memory_space<hbm>>) target_semaphore(%arg19 : memref<!tpu.dma_semaphore, #tpu.memory_space<semaphore_mem>>)
      %dma_wait3A_361 = arith.constant 0 : i32
      %dma_wait3A_362 = arith.constant 0 : i32
      %dma_wait3A_363 = tpu.memref_slice %arg3[%dma_wait3A_361, %dma_wait3A_362] : memref<100000x128xf32, #tpu.memory_space<hbm>> -> memref<128x128xf32, #tpu.memory_space<hbm>>
      %dma_wait3A_364 = arith.constant 0 : i32
      %dma_wait3A_365 = arith.constant 0 : i32
      %dma_wait3A_366 = tpu.memref_slice %arg3[%dma_wait3A_364, %dma_wait3A_365] : memref<100000x128xf32, #tpu.memory_space<hbm>> -> memref<128x128xf32, #tpu.memory_space<hbm>>
      tpu.wait_dma2 semaphore(%arg15 : memref<!tpu.dma_semaphore, #tpu.memory_space<semaphore_mem>>) src(%dma_wait3A_366 : memref<128x128xf32, #tpu.memory_space<hbm>>) dst(%arg9 : memref<128x128xf32, #tpu.memory_space<vmem>>)
      %dma_wait3A_367 = arith.constant 0 : i32
      %dma_wait3A_368 = arith.constant 0 : i32
      %dma_wait3A_369 = tpu.memref_slice %arg4[%dma_wait3A_367, %mul3A_2, %dma_wait3A_368] : memref<50x4096x128xf32, #tpu.memory_space<hbm>> -> memref<1x128x128xf32, #tpu.memory_space<hbm>>
      %dma_wait3A_370 = tpu.memref_squeeze %dma_wait3A_369 : memref<1x128x128xf32, #tpu.memory_space<hbm>> -> memref<128x128xf32, #tpu.memory_space<hbm>>
      %dma_wait3A_371 = arith.constant 0 : i32
      %dma_wait3A_372 = tpu.memref_slice %arg4[%dma_wait3A_367, %mul3A_2, %dma_wait3A_371] : memref<50x4096x128xf32, #tpu.memory_space<hbm>> -> memref<1x128x128xf32, #tpu.memory_space<hbm>>
      %dma_wait3A_373 = tpu.memref_squeeze %dma_wait3A_372 : memref<1x128x128xf32, #tpu.memory_space<hbm>> -> memref<128x128xf32, #tpu.memory_space<hbm>>
      tpu.wait_dma2 semaphore(%arg19 : memref<!tpu.dma_semaphore, #tpu.memory_space<semaphore_mem>>) src(%arg8 : memref<128x128xf32, #tpu.memory_space<vmem>>) dst(%dma_wait3A_373 : memref<128x128xf32, #tpu.memory_space<hbm>>)
      %add3A_374 = arith.constant 3 : i32
      %add3A_375 = arith.addi %add3A_267, %add3A_374 : i32
      %add3A_376 = arith.constant 4 : i32
      %add3A_377 = arith.addi %add3A_375, %add3A_376 : i32
      %mul3A_378 = arith.constant 128 : i32
      %mul3A_379 = arith.muli %add3A_377, %mul3A_378 : i32
      %dma_start3A_380 = tpu.memref_slice %arg5[%mul3A_379] : memref<6400xi32, #tpu.memory_space<vmem>> -> memref<128xi32, #tpu.memory_space<vmem>>
      %dma_start3A_381 = arith.constant 0 : i32
      %dma_start3A_382 = arith.constant 0 : i32
      %dma_start3A_383 = tpu.memref_slice %arg3[%dma_start3A_381, %dma_start3A_382] : memref<100000x128xf32, #tpu.memory_space<hbm>> -> memref<100000x128xf32, #tpu.memory_space<hbm>>
      tpu.enqueue_indirect_dma source(%dma_start3A_383 : memref<100000x128xf32, #tpu.memory_space<hbm>>) target(%arg8 : memref<128x128xf32, #tpu.memory_space<vmem>>) offsets(%dma_start3A_380 : memref<128xi32, #tpu.memory_space<vmem>>) semaphore(%arg14 : memref<!tpu.dma_semaphore, #tpu.memory_space<semaphore_mem>>)
      %add3A_384 = arith.constant 3 : i32
      %add3A_385 = arith.addi %add3A_267, %add3A_384 : i32
      %dma_start3A_386 = arith.constant 0 : i32
      %dma_start3A_387 = tpu.memref_slice %arg4[%add3A_385, %mul3A_2, %dma_start3A_386] : memref<50x4096x128xf32, #tpu.memory_space<hbm>> -> memref<1x128x128xf32, #tpu.memory_space<hbm>>
      %dma_start3A_388 = tpu.memref_squeeze %dma_start3A_387 : memref<1x128x128xf32, #tpu.memory_space<hbm>> -> memref<128x128xf32, #tpu.memory_space<hbm>>
      %dma_start3A_389 = arith.constant 0 : i32
      %dma_start3A_390 = tpu.memref_slice %arg4[%add3A_385, %mul3A_2, %dma_start3A_389] : memref<50x4096x128xf32, #tpu.memory_space<hbm>> -> memref<1x128x128xf32, #tpu.memory_space<hbm>>
      %dma_start3A_391 = tpu.memref_squeeze %dma_start3A_390 : memref<1x128x128xf32, #tpu.memory_space<hbm>> -> memref<128x128xf32, #tpu.memory_space<hbm>>
      tpu.enqueue_dma source(%arg9 : memref<128x128xf32, #tpu.memory_space<vmem>>) target(%dma_start3A_391 : memref<128x128xf32, #tpu.memory_space<hbm>>) target_semaphore(%arg20 : memref<!tpu.dma_semaphore, #tpu.memory_space<semaphore_mem>>)
      %dma_wait3A_392 = arith.constant 0 : i32
      %dma_wait3A_393 = arith.constant 0 : i32
      %dma_wait3A_394 = tpu.memref_slice %arg3[%dma_wait3A_392, %dma_wait3A_393] : memref<100000x128xf32, #tpu.memory_space<hbm>> -> memref<128x128xf32, #tpu.memory_space<hbm>>
      %dma_wait3A_395 = arith.constant 0 : i32
      %dma_wait3A_396 = arith.constant 0 : i32
      %dma_wait3A_397 = tpu.memref_slice %arg3[%dma_wait3A_395, %dma_wait3A_396] : memref<100000x128xf32, #tpu.memory_space<hbm>> -> memref<128x128xf32, #tpu.memory_space<hbm>>
      tpu.wait_dma2 semaphore(%arg16 : memref<!tpu.dma_semaphore, #tpu.memory_space<semaphore_mem>>) src(%dma_wait3A_397 : memref<128x128xf32, #tpu.memory_space<hbm>>) dst(%arg10 : memref<128x128xf32, #tpu.memory_space<vmem>>)
      %dma_wait3A_398 = arith.constant 0 : i32
      %dma_wait3A_399 = arith.constant 0 : i32
      %dma_wait3A_400 = tpu.memref_slice %arg4[%dma_wait3A_398, %mul3A_2, %dma_wait3A_399] : memref<50x4096x128xf32, #tpu.memory_space<hbm>> -> memref<1x128x128xf32, #tpu.memory_space<hbm>>
      %dma_wait3A_401 = tpu.memref_squeeze %dma_wait3A_400 : memref<1x128x128xf32, #tpu.memory_space<hbm>> -> memref<128x128xf32, #tpu.memory_space<hbm>>
      %dma_wait3A_402 = arith.constant 0 : i32
      %dma_wait3A_403 = tpu.memref_slice %arg4[%dma_wait3A_398, %mul3A_2, %dma_wait3A_402] : memref<50x4096x128xf32, #tpu.memory_space<hbm>> -> memref<1x128x128xf32, #tpu.memory_space<hbm>>
      %dma_wait3A_404 = tpu.memref_squeeze %dma_wait3A_403 : memref<1x128x128xf32, #tpu.memory_space<hbm>> -> memref<128x128xf32, #tpu.memory_space<hbm>>
      tpu.wait_dma2 semaphore(%arg20 : memref<!tpu.dma_semaphore, #tpu.memory_space<semaphore_mem>>) src(%arg9 : memref<128x128xf32, #tpu.memory_space<vmem>>) dst(%dma_wait3A_404 : memref<128x128xf32, #tpu.memory_space<hbm>>)
      %add3A_405 = arith.constant 4 : i32
      %add3A_406 = arith.addi %add3A_267, %add3A_405 : i32
      %add3A_407 = arith.constant 4 : i32
      %add3A_408 = arith.addi %add3A_406, %add3A_407 : i32
      %mul3A_409 = arith.constant 128 : i32
      %mul3A_410 = arith.muli %add3A_408, %mul3A_409 : i32
      %dma_start3A_411 = tpu.memref_slice %arg5[%mul3A_410] : memref<6400xi32, #tpu.memory_space<vmem>> -> memref<128xi32, #tpu.memory_space<vmem>>
      %dma_start3A_412 = arith.constant 0 : i32
      %dma_start3A_413 = arith.constant 0 : i32
      %dma_start3A_414 = tpu.memref_slice %arg3[%dma_start3A_412, %dma_start3A_413] : memref<100000x128xf32, #tpu.memory_space<hbm>> -> memref<100000x128xf32, #tpu.memory_space<hbm>>
      tpu.enqueue_indirect_dma source(%dma_start3A_414 : memref<100000x128xf32, #tpu.memory_space<hbm>>) target(%arg9 : memref<128x128xf32, #tpu.memory_space<vmem>>) offsets(%dma_start3A_411 : memref<128xi32, #tpu.memory_space<vmem>>) semaphore(%arg15 : memref<!tpu.dma_semaphore, #tpu.memory_space<semaphore_mem>>)
      %add3A_415 = arith.constant 4 : i32
      %add3A_416 = arith.addi %add3A_267, %add3A_415 : i32
      %dma_start3A_417 = arith.constant 0 : i32
      %dma_start3A_418 = tpu.memref_slice %arg4[%add3A_416, %mul3A_2, %dma_start3A_417] : memref<50x4096x128xf32, #tpu.memory_space<hbm>> -> memref<1x128x128xf32, #tpu.memory_space<hbm>>
      %dma_start3A_419 = tpu.memref_squeeze %dma_start3A_418 : memref<1x128x128xf32, #tpu.memory_space<hbm>> -> memref<128x128xf32, #tpu.memory_space<hbm>>
      %dma_start3A_420 = arith.constant 0 : i32
      %dma_start3A_421 = tpu.memref_slice %arg4[%add3A_416, %mul3A_2, %dma_start3A_420] : memref<50x4096x128xf32, #tpu.memory_space<hbm>> -> memref<1x128x128xf32, #tpu.memory_space<hbm>>
      %dma_start3A_422 = tpu.memref_squeeze %dma_start3A_421 : memref<1x128x128xf32, #tpu.memory_space<hbm>> -> memref<128x128xf32, #tpu.memory_space<hbm>>
      tpu.enqueue_dma source(%arg10 : memref<128x128xf32, #tpu.memory_space<vmem>>) target(%dma_start3A_422 : memref<128x128xf32, #tpu.memory_space<hbm>>) target_semaphore(%arg21 : memref<!tpu.dma_semaphore, #tpu.memory_space<semaphore_mem>>)
    }
    %scan3A_150 = arith.constant 8 : i32
    %dma_wait3A_151 = arith.constant 0 : i32
    %dma_wait3A_152 = arith.constant 0 : i32
    %dma_wait3A_153 = tpu.memref_slice %arg3[%dma_wait3A_151, %dma_wait3A_152] : memref<100000x128xf32, #tpu.memory_space<hbm>> -> memref<128x128xf32, #tpu.memory_space<hbm>>
    %dma_wait3A_154 = arith.constant 0 : i32
    %dma_wait3A_155 = arith.constant 0 : i32
    %dma_wait3A_156 = tpu.memref_slice %arg3[%dma_wait3A_154, %dma_wait3A_155] : memref<100000x128xf32, #tpu.memory_space<hbm>> -> memref<128x128xf32, #tpu.memory_space<hbm>>
    tpu.wait_dma2 semaphore(%arg12 : memref<!tpu.dma_semaphore, #tpu.memory_space<semaphore_mem>>) src(%dma_wait3A_156 : memref<128x128xf32, #tpu.memory_space<hbm>>) dst(%arg6 : memref<128x128xf32, #tpu.memory_space<vmem>>)
    %dma_wait3A_157 = arith.constant 0 : i32
    %dma_wait3A_158 = arith.constant 0 : i32
    %dma_wait3A_159 = tpu.memref_slice %arg4[%dma_wait3A_157, %mul3A_2, %dma_wait3A_158] : memref<50x4096x128xf32, #tpu.memory_space<hbm>> -> memref<1x128x128xf32, #tpu.memory_space<hbm>>
    %dma_wait3A_160 = tpu.memref_squeeze %dma_wait3A_159 : memref<1x128x128xf32, #tpu.memory_space<hbm>> -> memref<128x128xf32, #tpu.memory_space<hbm>>
    %dma_wait3A_161 = arith.constant 0 : i32
    %dma_wait3A_162 = tpu.memref_slice %arg4[%dma_wait3A_157, %mul3A_2, %dma_wait3A_161] : memref<50x4096x128xf32, #tpu.memory_space<hbm>> -> memref<1x128x128xf32, #tpu.memory_space<hbm>>
    %dma_wait3A_163 = tpu.memref_squeeze %dma_wait3A_162 : memref<1x128x128xf32, #tpu.memory_space<hbm>> -> memref<128x128xf32, #tpu.memory_space<hbm>>
    tpu.wait_dma2 semaphore(%arg21 : memref<!tpu.dma_semaphore, #tpu.memory_space<semaphore_mem>>) src(%arg10 : memref<128x128xf32, #tpu.memory_space<vmem>>) dst(%dma_wait3A_163 : memref<128x128xf32, #tpu.memory_space<hbm>>)
    %dma_start3A_164 = arith.constant 6272 : i32
    %dma_start3A_165 = tpu.memref_slice %arg5[%dma_start3A_164] : memref<6400xi32, #tpu.memory_space<vmem>> -> memref<128xi32, #tpu.memory_space<vmem>>
    %dma_start3A_166 = arith.constant 0 : i32
    %dma_start3A_167 = arith.constant 0 : i32
    %dma_start3A_168 = tpu.memref_slice %arg3[%dma_start3A_166, %dma_start3A_167] : memref<100000x128xf32, #tpu.memory_space<hbm>> -> memref<100000x128xf32, #tpu.memory_space<hbm>>
    tpu.enqueue_indirect_dma source(%dma_start3A_168 : memref<100000x128xf32, #tpu.memory_space<hbm>>) target(%arg10 : memref<128x128xf32, #tpu.memory_space<vmem>>) offsets(%dma_start3A_165 : memref<128xi32, #tpu.memory_space<vmem>>) semaphore(%arg16 : memref<!tpu.dma_semaphore, #tpu.memory_space<semaphore_mem>>)
    %dma_start3A_169 = arith.constant 45 : i32
    %dma_start3A_170 = arith.constant 0 : i32
    %dma_start3A_171 = tpu.memref_slice %arg4[%dma_start3A_169, %mul3A_2, %dma_start3A_170] : memref<50x4096x128xf32, #tpu.memory_space<hbm>> -> memref<1x128x128xf32, #tpu.memory_space<hbm>>
    %dma_start3A_172 = tpu.memref_squeeze %dma_start3A_171 : memref<1x128x128xf32, #tpu.memory_space<hbm>> -> memref<128x128xf32, #tpu.memory_space<hbm>>
    %dma_start3A_173 = arith.constant 0 : i32
    %dma_start3A_174 = tpu.memref_slice %arg4[%dma_start3A_169, %mul3A_2, %dma_start3A_173] : memref<50x4096x128xf32, #tpu.memory_space<hbm>> -> memref<1x128x128xf32, #tpu.memory_space<hbm>>
    %dma_start3A_175 = tpu.memref_squeeze %dma_start3A_174 : memref<1x128x128xf32, #tpu.memory_space<hbm>> -> memref<128x128xf32, #tpu.memory_space<hbm>>
    tpu.enqueue_dma source(%arg6 : memref<128x128xf32, #tpu.memory_space<vmem>>) target(%dma_start3A_175 : memref<128x128xf32, #tpu.memory_space<hbm>>) target_semaphore(%arg17 : memref<!tpu.dma_semaphore, #tpu.memory_space<semaphore_mem>>)
    %dma_wait3A_176 = arith.constant 0 : i32
    %dma_wait3A_177 = arith.constant 0 : i32
    %dma_wait3A_178 = tpu.memref_slice %arg3[%dma_wait3A_176, %dma_wait3A_177] : memref<100000x128xf32, #tpu.memory_space<hbm>> -> memref<128x128xf32, #tpu.memory_space<hbm>>
    %dma_wait3A_179 = arith.constant 0 : i32
    %dma_wait3A_180 = arith.constant 0 : i32
    %dma_wait3A_181 = tpu.memref_slice %arg3[%dma_wait3A_179, %dma_wait3A_180] : memref<100000x128xf32, #tpu.memory_space<hbm>> -> memref<128x128xf32, #tpu.memory_space<hbm>>
    tpu.wait_dma2 semaphore(%arg13 : memref<!tpu.dma_semaphore, #tpu.memory_space<semaphore_mem>>) src(%dma_wait3A_181 : memref<128x128xf32, #tpu.memory_space<hbm>>) dst(%arg7 : memref<128x128xf32, #tpu.memory_space<vmem>>)
    %dma_start3A_182 = arith.constant 46 : i32
    %dma_start3A_183 = arith.constant 0 : i32
    %dma_start3A_184 = tpu.memref_slice %arg4[%dma_start3A_182, %mul3A_2, %dma_start3A_183] : memref<50x4096x128xf32, #tpu.memory_space<hbm>> -> memref<1x128x128xf32, #tpu.memory_space<hbm>>
    %dma_start3A_185 = tpu.memref_squeeze %dma_start3A_184 : memref<1x128x128xf32, #tpu.memory_space<hbm>> -> memref<128x128xf32, #tpu.memory_space<hbm>>
    %dma_start3A_186 = arith.constant 0 : i32
    %dma_start3A_187 = tpu.memref_slice %arg4[%dma_start3A_182, %mul3A_2, %dma_start3A_186] : memref<50x4096x128xf32, #tpu.memory_space<hbm>> -> memref<1x128x128xf32, #tpu.memory_space<hbm>>
    %dma_start3A_188 = tpu.memref_squeeze %dma_start3A_187 : memref<1x128x128xf32, #tpu.memory_space<hbm>> -> memref<128x128xf32, #tpu.memory_space<hbm>>
    tpu.enqueue_dma source(%arg7 : memref<128x128xf32, #tpu.memory_space<vmem>>) target(%dma_start3A_188 : memref<128x128xf32, #tpu.memory_space<hbm>>) target_semaphore(%arg18 : memref<!tpu.dma_semaphore, #tpu.memory_space<semaphore_mem>>)
    %dma_wait3A_189 = arith.constant 0 : i32
    %dma_wait3A_190 = arith.constant 0 : i32
    %dma_wait3A_191 = tpu.memref_slice %arg3[%dma_wait3A_189, %dma_wait3A_190] : memref<100000x128xf32, #tpu.memory_space<hbm>> -> memref<128x128xf32, #tpu.memory_space<hbm>>
    %dma_wait3A_192 = arith.constant 0 : i32
    %dma_wait3A_193 = arith.constant 0 : i32
    %dma_wait3A_194 = tpu.memref_slice %arg3[%dma_wait3A_192, %dma_wait3A_193] : memref<100000x128xf32, #tpu.memory_space<hbm>> -> memref<128x128xf32, #tpu.memory_space<hbm>>
    tpu.wait_dma2 semaphore(%arg14 : memref<!tpu.dma_semaphore, #tpu.memory_space<semaphore_mem>>) src(%dma_wait3A_194 : memref<128x128xf32, #tpu.memory_space<hbm>>) dst(%arg8 : memref<128x128xf32, #tpu.memory_space<vmem>>)
    %dma_start3A_195 = arith.constant 47 : i32
    %dma_start3A_196 = arith.constant 0 : i32
    %dma_start3A_197 = tpu.memref_slice %arg4[%dma_start3A_195, %mul3A_2, %dma_start3A_196] : memref<50x4096x128xf32, #tpu.memory_space<hbm>> -> memref<1x128x128xf32, #tpu.memory_space<hbm>>
    %dma_start3A_198 = tpu.memref_squeeze %dma_start3A_197 : memref<1x128x128xf32, #tpu.memory_space<hbm>> -> memref<128x128xf32, #tpu.memory_space<hbm>>
    %dma_start3A_199 = arith.constant 0 : i32
    %dma_start3A_200 = tpu.memref_slice %arg4[%dma_start3A_195, %mul3A_2, %dma_start3A_199] : memref<50x4096x128xf32, #tpu.memory_space<hbm>> -> memref<1x128x128xf32, #tpu.memory_space<hbm>>
    %dma_start3A_201 = tpu.memref_squeeze %dma_start3A_200 : memref<1x128x128xf32, #tpu.memory_space<hbm>> -> memref<128x128xf32, #tpu.memory_space<hbm>>
    tpu.enqueue_dma source(%arg8 : memref<128x128xf32, #tpu.memory_space<vmem>>) target(%dma_start3A_201 : memref<128x128xf32, #tpu.memory_space<hbm>>) target_semaphore(%arg19 : memref<!tpu.dma_semaphore, #tpu.memory_space<semaphore_mem>>)
    %dma_wait3A_202 = arith.constant 0 : i32
    %dma_wait3A_203 = arith.constant 0 : i32
    %dma_wait3A_204 = tpu.memref_slice %arg3[%dma_wait3A_202, %dma_wait3A_203] : memref<100000x128xf32, #tpu.memory_space<hbm>> -> memref<128x128xf32, #tpu.memory_space<hbm>>
    %dma_wait3A_205 = arith.constant 0 : i32
    %dma_wait3A_206 = arith.constant 0 : i32
    %dma_wait3A_207 = tpu.memref_slice %arg3[%dma_wait3A_205, %dma_wait3A_206] : memref<100000x128xf32, #tpu.memory_space<hbm>> -> memref<128x128xf32, #tpu.memory_space<hbm>>
    tpu.wait_dma2 semaphore(%arg15 : memref<!tpu.dma_semaphore, #tpu.memory_space<semaphore_mem>>) src(%dma_wait3A_207 : memref<128x128xf32, #tpu.memory_space<hbm>>) dst(%arg9 : memref<128x128xf32, #tpu.memory_space<vmem>>)
    %dma_start3A_208 = arith.constant 48 : i32
    %dma_start3A_209 = arith.constant 0 : i32
    %dma_start3A_210 = tpu.memref_slice %arg4[%dma_start3A_208, %mul3A_2, %dma_start3A_209] : memref<50x4096x128xf32, #tpu.memory_space<hbm>> -> memref<1x128x128xf32, #tpu.memory_space<hbm>>
    %dma_start3A_211 = tpu.memref_squeeze %dma_start3A_210 : memref<1x128x128xf32, #tpu.memory_space<hbm>> -> memref<128x128xf32, #tpu.memory_space<hbm>>
    %dma_start3A_212 = arith.constant 0 : i32
    %dma_start3A_213 = tpu.memref_slice %arg4[%dma_start3A_208, %mul3A_2, %dma_start3A_212] : memref<50x4096x128xf32, #tpu.memory_space<hbm>> -> memref<1x128x128xf32, #tpu.memory_space<hbm>>
    %dma_start3A_214 = tpu.memref_squeeze %dma_start3A_213 : memref<1x128x128xf32, #tpu.memory_space<hbm>> -> memref<128x128xf32, #tpu.memory_space<hbm>>
    tpu.enqueue_dma source(%arg9 : memref<128x128xf32, #tpu.memory_space<vmem>>) target(%dma_start3A_214 : memref<128x128xf32, #tpu.memory_space<hbm>>) target_semaphore(%arg20 : memref<!tpu.dma_semaphore, #tpu.memory_space<semaphore_mem>>)
    %dma_wait3A_215 = arith.constant 0 : i32
    %dma_wait3A_216 = arith.constant 0 : i32
    %dma_wait3A_217 = tpu.memref_slice %arg3[%dma_wait3A_215, %dma_wait3A_216] : memref<100000x128xf32, #tpu.memory_space<hbm>> -> memref<128x128xf32, #tpu.memory_space<hbm>>
    %dma_wait3A_218 = arith.constant 0 : i32
    %dma_wait3A_219 = arith.constant 0 : i32
    %dma_wait3A_220 = tpu.memref_slice %arg3[%dma_wait3A_218, %dma_wait3A_219] : memref<100000x128xf32, #tpu.memory_space<hbm>> -> memref<128x128xf32, #tpu.memory_space<hbm>>
    tpu.wait_dma2 semaphore(%arg16 : memref<!tpu.dma_semaphore, #tpu.memory_space<semaphore_mem>>) src(%dma_wait3A_220 : memref<128x128xf32, #tpu.memory_space<hbm>>) dst(%arg10 : memref<128x128xf32, #tpu.memory_space<vmem>>)
    %dma_start3A_221 = arith.constant 49 : i32
    %dma_start3A_222 = arith.constant 0 : i32
    %dma_start3A_223 = tpu.memref_slice %arg4[%dma_start3A_221, %mul3A_2, %dma_start3A_222] : memref<50x4096x128xf32, #tpu.memory_space<hbm>> -> memref<1x128x128xf32, #tpu.memory_space<hbm>>
    %dma_start3A_224 = tpu.memref_squeeze %dma_start3A_223 : memref<1x128x128xf32, #tpu.memory_space<hbm>> -> memref<128x128xf32, #tpu.memory_space<hbm>>
    %dma_start3A_225 = arith.constant 0 : i32
    %dma_start3A_226 = tpu.memref_slice %arg4[%dma_start3A_221, %mul3A_2, %dma_start3A_225] : memref<50x4096x128xf32, #tpu.memory_space<hbm>> -> memref<1x128x128xf32, #tpu.memory_space<hbm>>
    %dma_start3A_227 = tpu.memref_squeeze %dma_start3A_226 : memref<1x128x128xf32, #tpu.memory_space<hbm>> -> memref<128x128xf32, #tpu.memory_space<hbm>>
    tpu.enqueue_dma source(%arg10 : memref<128x128xf32, #tpu.memory_space<vmem>>) target(%dma_start3A_227 : memref<128x128xf32, #tpu.memory_space<hbm>>) target_semaphore(%arg21 : memref<!tpu.dma_semaphore, #tpu.memory_space<semaphore_mem>>)
    %dma_wait3A_228 = arith.constant 0 : i32
    %dma_wait3A_229 = arith.constant 0 : i32
    %dma_wait3A_230 = tpu.memref_slice %arg4[%dma_wait3A_228, %mul3A_2, %dma_wait3A_229] : memref<50x4096x128xf32, #tpu.memory_space<hbm>> -> memref<1x128x128xf32, #tpu.memory_space<hbm>>
    %dma_wait3A_231 = tpu.memref_squeeze %dma_wait3A_230 : memref<1x128x128xf32, #tpu.memory_space<hbm>> -> memref<128x128xf32, #tpu.memory_space<hbm>>
    %dma_wait3A_232 = arith.constant 0 : i32
    %dma_wait3A_233 = tpu.memref_slice %arg4[%dma_wait3A_228, %mul3A_2, %dma_wait3A_232] : memref<50x4096x128xf32, #tpu.memory_space<hbm>> -> memref<1x128x128xf32, #tpu.memory_space<hbm>>
    %dma_wait3A_234 = tpu.memref_squeeze %dma_wait3A_233 : memref<1x128x128xf32, #tpu.memory_space<hbm>> -> memref<128x128xf32, #tpu.memory_space<hbm>>
    tpu.wait_dma2 semaphore(%arg17 : memref<!tpu.dma_semaphore, #tpu.memory_space<semaphore_mem>>) src(%arg6 : memref<128x128xf32, #tpu.memory_space<vmem>>) dst(%dma_wait3A_234 : memref<128x128xf32, #tpu.memory_space<hbm>>)
    %dma_wait3A_235 = arith.constant 0 : i32
    %dma_wait3A_236 = arith.constant 0 : i32
    %dma_wait3A_237 = tpu.memref_slice %arg4[%dma_wait3A_235, %mul3A_2, %dma_wait3A_236] : memref<50x4096x128xf32, #tpu.memory_space<hbm>> -> memref<1x128x128xf32, #tpu.memory_space<hbm>>
    %dma_wait3A_238 = tpu.memref_squeeze %dma_wait3A_237 : memref<1x128x128xf32, #tpu.memory_space<hbm>> -> memref<128x128xf32, #tpu.memory_space<hbm>>
    %dma_wait3A_239 = arith.constant 0 : i32
    %dma_wait3A_240 = tpu.memref_slice %arg4[%dma_wait3A_235, %mul3A_2, %dma_wait3A_239] : memref<50x4096x128xf32, #tpu.memory_space<hbm>> -> memref<1x128x128xf32, #tpu.memory_space<hbm>>
    %dma_wait3A_241 = tpu.memref_squeeze %dma_wait3A_240 : memref<1x128x128xf32, #tpu.memory_space<hbm>> -> memref<128x128xf32, #tpu.memory_space<hbm>>
    tpu.wait_dma2 semaphore(%arg18 : memref<!tpu.dma_semaphore, #tpu.memory_space<semaphore_mem>>) src(%arg7 : memref<128x128xf32, #tpu.memory_space<vmem>>) dst(%dma_wait3A_241 : memref<128x128xf32, #tpu.memory_space<hbm>>)
    %dma_wait3A_242 = arith.constant 0 : i32
    %dma_wait3A_243 = arith.constant 0 : i32
    %dma_wait3A_244 = tpu.memref_slice %arg4[%dma_wait3A_242, %mul3A_2, %dma_wait3A_243] : memref<50x4096x128xf32, #tpu.memory_space<hbm>> -> memref<1x128x128xf32, #tpu.memory_space<hbm>>
    %dma_wait3A_245 = tpu.memref_squeeze %dma_wait3A_244 : memref<1x128x128xf32, #tpu.memory_space<hbm>> -> memref<128x128xf32, #tpu.memory_space<hbm>>
    %dma_wait3A_246 = arith.constant 0 : i32
    %dma_wait3A_247 = tpu.memref_slice %arg4[%dma_wait3A_242, %mul3A_2, %dma_wait3A_246] : memref<50x4096x128xf32, #tpu.memory_space<hbm>> -> memref<1x128x128xf32, #tpu.memory_space<hbm>>
    %dma_wait3A_248 = tpu.memref_squeeze %dma_wait3A_247 : memref<1x128x128xf32, #tpu.memory_space<hbm>> -> memref<128x128xf32, #tpu.memory_space<hbm>>
    tpu.wait_dma2 semaphore(%arg19 : memref<!tpu.dma_semaphore, #tpu.memory_space<semaphore_mem>>) src(%arg8 : memref<128x128xf32, #tpu.memory_space<vmem>>) dst(%dma_wait3A_248 : memref<128x128xf32, #tpu.memory_space<hbm>>)
    %dma_wait3A_249 = arith.constant 0 : i32
    %dma_wait3A_250 = arith.constant 0 : i32
    %dma_wait3A_251 = tpu.memref_slice %arg4[%dma_wait3A_249, %mul3A_2, %dma_wait3A_250] : memref<50x4096x128xf32, #tpu.memory_space<hbm>> -> memref<1x128x128xf32, #tpu.memory_space<hbm>>
    %dma_wait3A_252 = tpu.memref_squeeze %dma_wait3A_251 : memref<1x128x128xf32, #tpu.memory_space<hbm>> -> memref<128x128xf32, #tpu.memory_space<hbm>>
    %dma_wait3A_253 = arith.constant 0 : i32
    %dma_wait3A_254 = tpu.memref_slice %arg4[%dma_wait3A_249, %mul3A_2, %dma_wait3A_253] : memref<50x4096x128xf32, #tpu.memory_space<hbm>> -> memref<1x128x128xf32, #tpu.memory_space<hbm>>
    %dma_wait3A_255 = tpu.memref_squeeze %dma_wait3A_254 : memref<1x128x128xf32, #tpu.memory_space<hbm>> -> memref<128x128xf32, #tpu.memory_space<hbm>>
    tpu.wait_dma2 semaphore(%arg20 : memref<!tpu.dma_semaphore, #tpu.memory_space<semaphore_mem>>) src(%arg9 : memref<128x128xf32, #tpu.memory_space<vmem>>) dst(%dma_wait3A_255 : memref<128x128xf32, #tpu.memory_space<hbm>>)
    %dma_wait3A_256 = arith.constant 0 : i32
    %dma_wait3A_257 = arith.constant 0 : i32
    %dma_wait3A_258 = tpu.memref_slice %arg4[%dma_wait3A_256, %mul3A_2, %dma_wait3A_257] : memref<50x4096x128xf32, #tpu.memory_space<hbm>> -> memref<1x128x128xf32, #tpu.memory_space<hbm>>
    %dma_wait3A_259 = tpu.memref_squeeze %dma_wait3A_258 : memref<1x128x128xf32, #tpu.memory_space<hbm>> -> memref<128x128xf32, #tpu.memory_space<hbm>>
    %dma_wait3A_260 = arith.constant 0 : i32
    %dma_wait3A_261 = tpu.memref_slice %arg4[%dma_wait3A_256, %mul3A_2, %dma_wait3A_260] : memref<50x4096x128xf32, #tpu.memory_space<hbm>> -> memref<1x128x128xf32, #tpu.memory_space<hbm>>
    %dma_wait3A_262 = tpu.memref_squeeze %dma_wait3A_261 : memref<1x128x128xf32, #tpu.memory_space<hbm>> -> memref<128x128xf32, #tpu.memory_space<hbm>>
    tpu.wait_dma2 semaphore(%arg21 : memref<!tpu.dma_semaphore, #tpu.memory_space<semaphore_mem>>) src(%arg10 : memref<128x128xf32, #tpu.memory_space<vmem>>) dst(%dma_wait3A_262 : memref<128x128xf32, #tpu.memory_space<hbm>>)
    return
  }
}

</mosaic_0001>

<sc_bundles>
// kernel: kernel.3.cloned.1.call-start
scs
__scs_entry_jumppad:
0x0: {  	(pc) =	sbr.rel $0x88, $3  }
0x1: {  	(tag) =	ssettag $0x0;
	lr =	simm.s32 $0x1  }
0x2: {  	[smem:$0x3F9F] =	sst lr;
	_ =	strace $0xD0000000  }
0x3: {  	_ = 	snop  }
0x4: {  	_ = 	snop  }
0x5: {  	_ = 	snop  }
0x6: {  	_ = 	snop  }
0x7: {  	_ = 	snop  }
__scs_overlays_trampoline_lowered:
0x8: {  	[smem:$0x3FAE] =	sst s0  }
0x9: {  	[smem:$0x3FAF] =	sst s1  }
0xa: {  	[smem:$0x3FB0] =	sst s2  }
0xb: {  	[smem:$0x3FB1] =	sst s3  }
0xc: {  	[smem:$0x3FB2] =	sst s4  }
0xd: {  	[smem:$0x3FB3] =	sst s5  }
0xe: {  	[smem:$0x3FB4] =	sst s6  }
0xf: {  	[smem:$0x3FB5] =	sst s7  }
0x10: {  	[smem:$0x3FB6] =	sst s8  }
0x11: {  	[smem:$0x3FB7] =	sst s9;
	s0 =	simm.s32 @!p0 $0x0  }
0x12: {  	s1 =	sld [smem:$0x3F9D];
	s0 =	simm.s32 @p0 $0x1  }
0x13: {  	[smem:$0x3FB8] =	sst s0;
	s0 =	simm.s32 @!p1 $0x0  }
0x14: {  	s2 =	sld [smem:$0x3F9C];
	s0 =	simm.s32 @p1 $0x1  }
0x15: {  	[smem:$0x3FB9] =	sst s0;
	s0 =	simm.s32 @!p2 $0x0  }
0x16: {  	s3 =	sld [smem:$0x3FDB];
	s0 =	simm.s32 @p2 $0x1  }
0x17: {  	s4 =	simm.s32 $0x1BF5;
	[smem:$0x3FBB] =	sst s0  }
0x18: {  	s0 =	sld [smem:$0x3F9E];
	_ =	swait.ge [sflag:s4], $0x0  }
0x19: {  	s7 =	sld [smem:$0x3F9F]  }
0x1a: {  	s8 =	sadd.s32 $0xFFFFE003, lr  }
0x1b: {  	s9 =	sadd.s32 $0xFFFFFEF7, lr;
	s5 =	simm.s32 $0xFFFFFFFF;
	p2 =	slt.u32 s8, $0xFFFFF086  }
0x1c: {  	p1 =	slt.u32 s9, $0xF7A;
	s5 =	simm.s32 @!p2 $0x0  }
0x1d: {  	s5 =	simm.s32 @p1 $0x1;
	p0 =	seq.s32 s7, s2  }
0x1e: {  	s7 =	smul.u32 @!p0 $0xF7A, s2;
	p2 =	seq.s32 @!p0 s5, $0x0  }
0x1f: {  	s9 =	smul.u32 $0xF7A, s1;
	s8 =	simm.s32 @!p0 $0x1BF5;
	p2 =	por !p2, p0  }
0x20: {  	[sflag:s8] =	ssyncset.s32 @!p0 $0xFFFFF086;
	s6 =	sadd.s32 @!p0 s3, s7;
	s7 =	simm.s32 @!p0 $0x108  }
0x21: {  	s3 =	sadd.s32 s3, s9;
	s6 =	sadd.s32 @!p0 $0x88, s6;
	s7 =	simm.s32 @p2 $0x1082  }
0x22: {  	[simem:s7], [sflag:s8] =	dma.local @!p0 [hbm:s6], $0xF7A  }
0x23: {  	s9 =	sor.u32 $0xD0000000, s2;
	s6 =	simm.s32 $0x108;
	_ =	swait.ge @!p0 [sflag:s8], $0x0  }
0x24: {  	s3 =	sadd.s32 $0x88, s3;
	s6 =	simm.s32 @!p1 $0x1082;
	[sflag:s4] =	ssyncset.s32 $0xFFFFF086  }
0x25: {  	[simem:s6], [sflag:s4] =	dma.local [hbm:s3], $0xF7A  }
0x26: {  	[smem:$0x3F9F] =	sst s1;
	(tag) =	ssettag s2;
	_ =	strace s9  }
0x27: {  	s1 =	sld [smem:$0x3FAF]  }
0x28: {  	s2 =	sld [smem:$0x3FB0]  }
0x29: {  	s4 =	sld [smem:$0x3FB2]  }
0x2a: {  	p0 =	seq.s32 s5, $0x0;
	s5 =	sld [smem:$0x3FB3]  }
0x2b: {  	s6 =	sld [smem:$0x3FB4]  }
0x2c: {  	s7 =	sld [smem:$0x3FB5]  }
0x2d: {  	s3 =	simm.s32 $0x108;
	s8 =	sld [smem:$0x3FB6]  }
0x2e: {  	s3 =	simm.s32 @!p0 $0x1082;
	s9 =	sld [smem:$0x3FB7]  }
0x2f: {  	lr =	sadd.s32 s0, s3;
	s0 =	sld [smem:$0x3FAE]  }
0x30: {  	s3 =	sld [smem:$0x3FB1]  }
0x31: {  	[smem:$0x3FBA] =	sst s10  }
0x32: {  	s10 =	sld [smem:$0x3FB8];
	_ =	sdelay $0x3  }
0x33: {  	p0 =	seq.s32 s10, $0x1;
	s10 =	sld [smem:$0x3FBA];
	_ =	sdelay $0x3  }
0x34: {  	[smem:$0x3FBA] =	sst s10  }
0x35: {  	s10 =	sld [smem:$0x3FB9];
	_ =	sdelay $0x3  }
0x36: {  	p1 =	seq.s32 s10, $0x1;
	s10 =	sld [smem:$0x3FBA];
	_ =	sdelay $0x3  }
0x37: {  	[smem:$0x3FBA] =	sst s10  }
0x38: {  	s10 =	sld [smem:$0x3FBB]  }
0x39: {  	_ = 	snop;
	(pc) =	sbr.ind lr, $3  }
0x3a: {  	_ = 	snop  }
0x3b: {  	_ = 	snop  }
0x3c: {  	p2 =	seq.s32 s10, $0x1;
	s10 =	sld [smem:$0x3FBA]  }
0x3d: {  	_ =	shalt  }
0x3e: {  	_ =	shalt  }
0x3f: {  	_ =	shalt  }
0x40: {  	_ =	shalt  }
0x41: {  	_ =	shalt  }
0x42: {  	_ =	shalt  }
0x43: {  	_ =	shalt  }
0x44: {  	_ =	shalt  }
0x45: {  	_ =	shalt  }
0x46: {  	_ =	shalt  }
0x47: {  	_ =	shalt  }
0x48: {  	_ =	shalt  }
0x49: {  	_ =	shalt  }
0x4a: {  	_ =	shalt  }
0x4b: {  	_ =	shalt  }
0x4c: {  	_ =	shalt  }
0x4d: {  	_ =	shalt  }
0x4e: {  	_ =	shalt  }
0x4f: {  	_ =	shalt  }
0x50: {  	_ =	shalt  }
0x51: {  	_ =	shalt  }
0x52: {  	_ =	shalt  }
0x53: {  	_ =	shalt  }
0x54: {  	_ =	shalt  }
0x55: {  	_ =	shalt  }
0x56: {  	_ =	shalt  }
0x57: {  	_ =	shalt  }
0x58: {  	_ =	shalt  }
0x59: {  	_ =	shalt  }
0x5a: {  	_ =	shalt  }
0x5b: {  	_ =	shalt  }
0x5c: {  	_ =	shalt  }
0x5d: {  	_ =	shalt  }
0x5e: {  	_ =	shalt  }
0x5f: {  	_ =	shalt  }
0x60: {  	_ =	shalt  }
0x61: {  	_ =	shalt  }
0x62: {  	_ =	shalt  }
0x63: {  	_ =	shalt  }
0x64: {  	_ =	shalt  }
0x65: {  	_ =	shalt  }
0x66: {  	_ =	shalt  }
0x67: {  	_ =	shalt  }
0x68: {  	_ =	shalt  }
0x69: {  	_ =	shalt  }
0x6a: {  	_ =	shalt  }
0x6b: {  	_ =	shalt  }
0x6c: {  	_ =	shalt  }
0x6d: {  	_ =	shalt  }
0x6e: {  	_ =	shalt  }
0x6f: {  	_ =	shalt  }
0x70: {  	_ =	shalt  }
0x71: {  	_ =	shalt  }
0x72: {  	_ =	shalt  }
0x73: {  	_ =	shalt  }
0x74: {  	_ =	shalt  }
0x75: {  	_ =	shalt  }
0x76: {  	_ =	shalt  }
0x77: {  	_ =	shalt  }
0x78: {  	_ =	shalt  }
0x79: {  	_ =	shalt  }
0x7a: {  	_ =	shalt  }
0x7b: {  	_ =	shalt  }
0x7c: {  	_ =	shalt  }
0x7d: {  	_ =	shalt  }
0x7e: {  	_ =	shalt  }
0x7f: {  	_ =	shalt  }
0x80: {  	_ =	shalt  }
0x81: {  	_ =	shalt  }
0x82: {  	_ =	shalt  }
0x83: {  	_ =	shalt  }
0x84: {  	_ =	shalt  }
0x85: {  	_ =	shalt  }
0x86: {  	_ =	shalt  }
0x87: {  	_ =	shalt  }
.Lfunc_end0:
.L_simem_size_0:
called_computation_lowered:
.L_overlay_start_0:
0x88: {  	s2 =	sld [smem:$0x3FD9]  }
0x89: {  	s3 =	sld [smem:$0x3FFE];
	_ =	sdelay $0x1  }
0x8a: {  	s1 =	srdreg.scid  }
0x8b: {  	s0 =	sand.u32 $0x1, s1  }
0x8c: {  	s17 =	sshll.u32 s0, $0xA;
	s2 =	sadd.s32 s3, s2  }
0x8d: {  	s2 =	sadd.s32 s2, s17  }
0x8e: {  	[smem:$0x3FC6] =	sst s2  }
0x8f: {  	_ = 	snop  }
0x90: {  	s2 =	sld [smem:$0x3FC8]  }
0x91: {  	s18 =	sld [smem:$0x3FD0];
	(tm) =	ssettm $0x1  }
0x92: {  	s4 =	sld [smem:$0x3FFB];
	_ =	sdelay $0x3  }
0x93: {  	_ =	strace s4  }
0x94: {  	s4 =	sld [smem:$0x3FFC];
	_ =	sdelay $0x3  }
0x95: {  	_ =	strace s4  }
0x96: {  	s4 =	sld [smem:$0x3FFD];
	_ =	sdelay $0x3  }
0x97: {  	_ =	strace s4  }
0x98: {  	_ =	strace $0x8FFFFFFF  }
0x99: {  	s19 =	sld [smem:$0x3FDB];
	_ =	sdelay $0x1  }
0x9a: {  	s5 =	simm.s32 $_scs_section_size  }
0x9b: {  	s6 =	simm.s32 $_size__tile_overlayer_lowered;
	s7 =	simm.s32 $_tile_overlayer_lowered  }
0x9c: {  	s22 =	simm.s32 $0x1BFF;
	s21 =	sshll.u32 s7, $0x1;
	s4 =	sadd.s32 s5, s19  }
0x9d: {  	s8 =	simm.s32 $0x0;
	s20 =	sshll.u32 s6, $0x1;
	s6 =	sadd.s32 s21, s4  }
0x9e: {  	[timem:s8], [sflag:s22] =	dma.local [hbm:s6], s20  }
0x9f: {  	_ =	swait.ge [sflag:s22], s20  }
0xa0: {  	s5 =	ssub.s32 $0x0, s20;
	[sflag:s22] =	ssyncset.done $0x0  }
0xa1: {  	[sflag:s22] =	ssyncadd.s32 s5;
	_ =	sdelay $0x1  }
0xa2: {  	s23 =	simm.s32 $0x1B8B  }
0xa3: {  	_ =	swait.ge [sflag:s23], $0x1  }
0xa4: {  	[sflag:s23] =	ssyncset.done $0x0  }
0xa5: {  	s25 =	simm.s32 $0x1B8E;
	s24 =	sld [smem:$0x3FFE];
	[sflag:s23] =	ssyncadd.s32 $0xFFFFFFFF  }
0xa6: {  	s26 =	simm.s32 $execute0_lowered;
	[smem:$0x3FD2] =	sst s25  }
0xa7: {  	s6 =	sshll.u32 s26, $0x1;
	_ =	strace $0x80000046;
	[dreg:$0x1] =	wrdreg $0xFFFFFFFF  }
0xa8: {  	s28 =	simm.s32 $_size_execute0_lowered;
	s4 =	sadd.s32 s4, s6;
	[dreg:$0x0] =	wrdreg $0x0  }
0xa9: {  	s6 =	sshll.u32 s28, $0x1;
	[dreg:$0x2] =	wrdreg s4  }
0xaa: {  	[dreg:$0x3] =	wrdreg s6  }
0xab: {  	[dreg:$0x4] =	wrdreg $0xC0  }
0xac: {  	_ =	task [dreg:s8], $0x5FFFF  }
0xad: {  	[dreg:$0x1] =	wrdreg $0xFFFFFFFF  }
0xae: {  	[dreg:$0x0] =	wrdreg $0x60  }
0xaf: {  	[dreg:$0x2] =	wrdreg s24  }
0xb0: {  	[dreg:$0x3] =	wrdreg s2  }
0xb1: {  	[dreg:$0x4] =	wrdreg s18  }
0xb2: {  	[dreg:$0x5] =	wrdreg $0x9  }
0xb3: {  	_ =	task.clear_ibuf [dreg:s8], $0x6FFFF;
	_ =	strace $0x90000046  }
0xb4: {  	s29 =	simm.s32 $0x9;
	_ =	strace $0x80000048  }
0xb5: {  	_ =	swait.ge [sflag:s29], $0x1  }
0xb6: {  	[sflag:s29] =	ssyncadd.s32 $0xFFFFFFFF  }
0xb7: {  	_ =	strace $0x90000048  }
0xb8: {  	_ =	sfence  }
0xb9: {  	s30 =	sld [smem:$0x0];
	_ =	sdelay $0x2  }
0xba: {  	s31 =	sshll.u32 s1, $0xD;
	s1 =	sshrl.u32 s1, $0x2  }
0xbb: {  	s3 =	sand.u32 $0x4000, s31;
	s1 =	sadd.s32 s1, s30  }
0xbc: {  	s0 =	sor.u32 s3, s0;
	s1 =	sshll.u32 s1, $0x11  }
0xbd: {  	s0 =	sor.u32 s1, s0  }
0xbe: {  	s0 =	sadd.s32 $0x8F2B, s0  }
0xbf: {  	[sflag:s0] =	ssyncadd.remote.s32 $0x1  }
0xc0: {  	_ =	sfence.sel $0xFFFF  }
0xc1: {  	[dreg:$0x0] =	wrdreg $0xFFFFFFFF;
	(pc) =	sbr.abs _section_cstart, $3  }
0xc2: {  	[dreg:$0x1] =	wrdreg $0xFFFFFFFF  }
0xc3: {  	_ =	task.clear_ibuf [dreg:s8], $0x2FFFF;
	_ =	strace $0x9FFFFFFF  }
0xc4: {  	(tm) =	ssettm $0x7FFFFFFF  }
0xc5: {  	_ =	shalt  }
tec
execute0_lowered:
.L_overlay_start_1:
0x0: {  	(tag) =	ssettag $0x1  }
0x1: {  	s0 =	rddreg [dreg:$0x0]  }
0x2: {  	s2 =	rddreg [dreg:$0x1];
	s1 =	srdreg.scid  }
0x3: {  	s8 =	stileid.u32;
	s3 =	rddreg [dreg:$0x2];
	s4 =	simm.s32 $0x0  }
0x4: {  	s28 =	simm.s32 $0x9900;
	s1 =	sand.u32 $0x1, s1;
	s5 =	sshll.u32 s8, $0x1  }
0x5: {  	s30 =	simm.s32 $0xD900;
	s31 =	simm.s32 $0x2;
	s5 =	sor.u32 s1, s5  }
0x6: {  	s29 =	simm.s32 $0x7;
	s6 =	smul.u32 $0x320, s5;
	s5 =	sshll.u32 s5, $0xB  }
0x7: {  	[smem:$0x7FF] =	sst s4;
	s15 =	sshll.u32 s8, $0xF;
	s9 =	sadd.s32 s3, s5  }
0x8: {  	_ =	strace $0x80000047;
	s10 =	sadd.s32 $0x10000, s9;
	[dreg:$0x4] =	wrdreg s9  }
0x9: {  	s8 =	simm.s32 $0x9;
	s11 =	sadd.s32 $0x20000, s9;
	[dreg:$0x6] =	wrdreg s10  }
0xa: {  	s7 =	ssub.s32 $0x2, s1;
	s12 =	sadd.s32 $0x30000, s9;
	[dreg:$0x7] =	wrdreg s11  }
0xb: {  	s1 =	sshll.u32 s1, $0xE;
	s13 =	sadd.s32 $0x40000, s9;
	[dreg:$0x8] =	wrdreg s12  }
0xc: {  	s26 =	sshrl.u32 s7, $0x1;
	s14 =	sadd.s32 $0x2D0000, s9;
	[dreg:$0x9] =	wrdreg s13  }
0xd: {  	s7 =	ssub.s32 s7, s26;
	s16 =	sadd.s32 $0x2E0000, s9;
	[dreg:$0xa] =	wrdreg s14  }
0xe: {  	s0 =	sadd.s32 s6, s0;
	s17 =	sadd.s32 $0x2F0000, s9;
	[dreg:$0xb] =	wrdreg s16  }
0xf: {  	s18 =	sadd.s32 $0x300000, s9;
	s19 =	sadd.s32 $0x310000, s9;
	[dreg:$0xc] =	wrdreg s17  }
0x10: {  	s5 =	smax.u32 s7, $0x1;
	s6 =	simm.s32 $0x8;
	[dreg:$0xd] =	wrdreg s18  }
0x11: {  	s7 =	simm.s32 $0x5;
	s9 =	simm.s32 $0x6;
	[dreg:$0xe] =	wrdreg s19  }
0x12: {  	s0 =	sadd.s32 $0x400, s0;
	[dreg:$0xf] =	wrdreg s5;
	s10 =	simm.s32 $0xA  }
0x13: {  	s11 =	simm.s32 $0xB;
	[dreg:$0x5] =	wrdreg s0;
	s0 =	sor.u32 s1, s15  }
0x14: {  	s12 =	simm.s32 $0x0;
	s20 =	sor.u32 $0x400000, s0;
	s21 =	sor.u32 $0x380000, s0  }
0x15: {  	s23 =	sor.u32 $0x300000, s0;
	s25 =	sor.u32 $0x480000, s0;
	s0 =	sor.u32 $0x280000, s0  }
0x16: {  	s1 =	sshrl.u32 s20, $0x3;
	s22 =	sshrl.u32 s21, $0x3;
	s24 =	sshrl.u32 s23, $0x3  }
0x17: {  	[dreg:$0x13] =	wrdreg s0;
	s26 =	sshrl.u32 s25, $0x3;
	s23 =	simm.s32 $0x80  }
0x18: {  	s25 =	simm.s32 $0x5900;
	s0 =	simm.s32 $0x11900;
	s1 =	sadd.s32 s1, s3  }
0x19: {  	s17 =	sadd.s32 s26, s3;
	[dreg:$0x10] =	wrdreg s1;
	s1 =	sadd.s32 s22, s3  }
0x1a: {  	s26 =	simm.s32 $0x3;
	[dreg:$0x11] =	wrdreg s1;
	s1 =	sadd.s32 s24, s3  }
0x1b: {  	s24 =	simm.s32 $0x1900;
	[dreg:$0x12] =	wrdreg s1;
	s1 =	simm.s32 $0x4  }
.LBB2_1:
0x1c: {  	s5 =	rddreg [dreg:$0x5];
	s22 =	simm.s32 $0x1  }
0x1d: {  	[tilespmem:s4], [sflag:$0x1] =	stream.linear.gather [hbm4b:s5+s4], $0x1900, $0x38;
	[tilespmem:$0x15900] =	vst v63  }
0x1e: {  	_ =	swait.ge [sflag:s22], $0x1900  }
0x1f: {  	[sflag:s22] =	ssyncset.done $0x0  }
0x20: {  	[sflag:s22] =	ssyncadd.s32 $0xFFFFE700  }
0x21: {  	[tilespmem:s24], [sflag:$0x2] =	stream.indirect.gather [hbm4b:s2+s23], $0x80, s4, s23, $0xb8;
	[tilespmem:$0x15900] =	vst v63  }
0x22: {  	_ = 	snop  }
0x23: {  	[tilespmem:s25], [sflag:$0x3] =	stream.indirect.gather [hbm4b:s2+s23], $0x80, s23, s23, $0xb8;
	[tilespmem:$0x15900] =	vst v63  }
0x24: {  	s13 =	simm.s32 $0x100  }
0x25: {  	[tilespmem:s28], [sflag:$0x4] =	stream.indirect.gather [hbm4b:s2+s23], $0x80, s13, s23, $0xb8;
	[tilespmem:$0x15900] =	vst v63  }
0x26: {  	s14 =	simm.s32 $0x180  }
0x27: {  	[tilespmem:s30], [sflag:$0x5] =	stream.indirect.gather [hbm4b:s2+s23], $0x80, s14, s23, $0xb8;
	[tilespmem:$0x15900] =	vst v63  }
0x28: {  	_ =	swait.ge [sflag:s31], $0x4000  }
0x29: {  	[sflag:s31] =	ssyncset.done $0x0  }
0x2a: {  	s15 =	simm.s32 $0x200;
	[sflag:s31] =	ssyncadd.s32 $0xFFFFC000  }
0x2b: {  	[tilespmem:s0], [sflag:$0x6] =	stream.indirect.gather [hbm4b:s2+s23], $0x80, s15, s23, $0xb8;
	[tilespmem:$0x15900] =	vst v63  }
0x2c: {  	s16 =	rddreg [dreg:$0x4]  }
0x2d: {  	[hbm4b:s16+s4] =	stream.linear.scatter [tilespmem:s24], [sflag:$0x7], $0x4000, $0x38;
	[tilespmem:$0x15900] =	vst v63  }
0x2e: {  	_ =	swait.ge [sflag:s26], $0x4000  }
0x2f: {  	[sflag:s26] =	ssyncset.done $0x0  }
0x30: {  	[sflag:s26] =	ssyncadd.s32 $0xFFFFC000  }
0x31: {  	_ =	swait.ge [sflag:s29], $0x4000  }
0x32: {  	[sflag:s29] =	ssyncset.done $0x0  }
0x33: {  	s18 =	simm.s32 $0x280;
	[sflag:s29] =	ssyncadd.s32 $0xFFFFC000  }
0x34: {  	[tilespmem:s24], [sflag:$0x2] =	stream.indirect.gather [hbm4b:s2+s23], $0x80, s18, s23, $0xb8;
	[tilespmem:$0x15900] =	vst v63  }
0x35: {  	s19 =	rddreg [dreg:$0x6]  }
0x36: {  	[hbm4b:s19+s4] =	stream.linear.scatter [tilespmem:s25], [sflag:$0x8], $0x4000, $0x38;
	[tilespmem:$0x15900] =	vst v63  }
0x37: {  	_ =	swait.ge [sflag:s1], $0x4000  }
0x38: {  	[sflag:s1] =	ssyncset.done $0x0  }
0x39: {  	[sflag:s1] =	ssyncadd.s32 $0xFFFFC000  }
0x3a: {  	_ =	swait.ge [sflag:s6], $0x4000  }
0x3b: {  	[sflag:s6] =	ssyncset.done $0x0  }
0x3c: {  	s20 =	simm.s32 $0x300;
	[sflag:s6] =	ssyncadd.s32 $0xFFFFC000  }
0x3d: {  	[tilespmem:s25], [sflag:$0x3] =	stream.indirect.gather [hbm4b:s2+s23], $0x80, s20, s23, $0xb8;
	[tilespmem:$0x15900] =	vst v63  }
0x3e: {  	s21 =	rddreg [dreg:$0x7]  }
0x3f: {  	[hbm4b:s21+s4] =	stream.linear.scatter [tilespmem:s28], [sflag:$0x9], $0x4000, $0x38;
	[tilespmem:$0x15900] =	vst v63  }
0x40: {  	_ =	swait.ge [sflag:s7], $0x4000  }
0x41: {  	[sflag:s7] =	ssyncset.done $0x0  }
0x42: {  	[sflag:s7] =	ssyncadd.s32 $0xFFFFC000  }
0x43: {  	_ =	swait.ge [sflag:s8], $0x4000  }
0x44: {  	[sflag:s8] =	ssyncset.done $0x0  }
0x45: {  	s22 =	simm.s32 $0x380;
	[sflag:s8] =	ssyncadd.s32 $0xFFFFC000  }
0x46: {  	[tilespmem:s28], [sflag:$0x4] =	stream.indirect.gather [hbm4b:s2+s23], $0x80, s22, s23, $0xb8;
	[tilespmem:$0x15900] =	vst v63  }
0x47: {  	s13 =	rddreg [dreg:$0x8]  }
0x48: {  	[hbm4b:s13+s4] =	stream.linear.scatter [tilespmem:s30], [sflag:$0xA], $0x4000, $0x38;
	[tilespmem:$0x15900] =	vst v63  }
0x49: {  	_ =	swait.ge [sflag:s9], $0x4000  }
0x4a: {  	[sflag:s9] =	ssyncset.done $0x0  }
0x4b: {  	[sflag:s9] =	ssyncadd.s32 $0xFFFFC000  }
0x4c: {  	_ =	swait.ge [sflag:s10], $0x4000  }
0x4d: {  	[sflag:s10] =	ssyncset.done $0x0  }
0x4e: {  	s14 =	simm.s32 $0x400;
	[sflag:s10] =	ssyncadd.s32 $0xFFFFC000  }
0x4f: {  	[tilespmem:s30], [sflag:$0x5] =	stream.indirect.gather [hbm4b:s2+s23], $0x80, s14, s23, $0xb8;
	[tilespmem:$0x15900] =	vst v63  }
0x50: {  	s15 =	rddreg [dreg:$0x9]  }
0x51: {  	[hbm4b:s15+s4] =	stream.linear.scatter [tilespmem:s0], [sflag:$0xB], $0x4000, $0x38;
	[tilespmem:$0x15900] =	vst v63  }
0x52: {  	_ =	swait.ge [sflag:s31], $0x4000  }
0x53: {  	[sflag:s31] =	ssyncset.done $0x0  }
0x54: {  	[sflag:s31] =	ssyncadd.s32 $0xFFFFC000  }
0x55: {  	_ =	swait.ge [sflag:s11], $0x4000  }
0x56: {  	[sflag:s11] =	ssyncset.done $0x0;
	s15 =	rddreg [dreg:$0x13]  }
0x57: {  	s16 =	simm.s32 $0x480;
	[sflag:s11] =	ssyncadd.s32 $0xFFFFC000;
	s13 =	sshrl.u32 s15, $0x3  }
0x58: {  	[tilespmem:s0], [sflag:$0x6] =	stream.indirect.gather [hbm4b:s2+s23], $0x80, s16, s23, $0xb8;
	[tilespmem:$0x15900] =	vst v63  }
0x59: {  	s18 =	sadd.s32 s3, s13  }
0x5a: {  	[hbm4b:s18+s4] =	stream.linear.scatter [tilespmem:s24], [sflag:$0x7], $0x4000, $0x38;
	[tilespmem:$0x15900] =	vst v63  }
0x5b: {  	_ =	swait.ge [sflag:s26], $0x4000  }
0x5c: {  	[sflag:s26] =	ssyncset.done $0x0  }
0x5d: {  	[sflag:s26] =	ssyncadd.s32 $0xFFFFC000  }
0x5e: {  	_ =	swait.ge [sflag:s29], $0x4000  }
0x5f: {  	[sflag:s29] =	ssyncset.done $0x0  }
0x60: {  	s19 =	simm.s32 $0x500;
	[sflag:s29] =	ssyncadd.s32 $0xFFFFC000  }
0x61: {  	[tilespmem:s24], [sflag:$0x2] =	stream.indirect.gather [hbm4b:s2+s23], $0x80, s19, s23, $0xb8;
	[tilespmem:$0x15900] =	vst v63  }
0x62: {  	s19 =	rddreg [dreg:$0x12]  }
0x63: {  	[hbm4b:s19+s4] =	stream.linear.scatter [tilespmem:s25], [sflag:$0x8], $0x4000, $0x38;
	[tilespmem:$0x15900] =	vst v63  }
0x64: {  	_ =	swait.ge [sflag:s1], $0x4000  }
0x65: {  	[sflag:s1] =	ssyncset.done $0x0  }
0x66: {  	[sflag:s1] =	ssyncadd.s32 $0xFFFFC000  }
0x67: {  	_ =	swait.ge [sflag:s6], $0x4000  }
0x68: {  	[sflag:s6] =	ssyncset.done $0x0  }
0x69: {  	s20 =	simm.s32 $0x580;
	[sflag:s6] =	ssyncadd.s32 $0xFFFFC000  }
0x6a: {  	[tilespmem:s25], [sflag:$0x3] =	stream.indirect.gather [hbm4b:s2+s23], $0x80, s20, s23, $0xb8;
	[tilespmem:$0x15900] =	vst v63  }
0x6b: {  	s18 =	rddreg [dreg:$0x11]  }
0x6c: {  	[hbm4b:s18+s4] =	stream.linear.scatter [tilespmem:s28], [sflag:$0x9], $0x4000, $0x38;
	[tilespmem:$0x15900] =	vst v63  }
0x6d: {  	_ =	swait.ge [sflag:s7], $0x4000  }
0x6e: {  	[sflag:s7] =	ssyncset.done $0x0  }
0x6f: {  	[sflag:s7] =	ssyncadd.s32 $0xFFFFC000  }
0x70: {  	_ =	swait.ge [sflag:s8], $0x4000  }
0x71: {  	[sflag:s8] =	ssyncset.done $0x0  }
0x72: {  	s21 =	simm.s32 $0x600;
	[sflag:s8] =	ssyncadd.s32 $0xFFFFC000  }
0x73: {  	[tilespmem:s28], [sflag:$0x4] =	stream.indirect.gather [hbm4b:s2+s23], $0x80, s21, s23, $0xb8;
	[tilespmem:$0x15900] =	vst v63  }
0x74: {  	s16 =	rddreg [dreg:$0x10]  }
0x75: {  	[hbm4b:s16+s4] =	stream.linear.scatter [tilespmem:s30], [sflag:$0xA], $0x4000, $0x38;
	[tilespmem:$0x15900] =	vst v63  }
0x76: {  	_ =	swait.ge [sflag:s9], $0x4000  }
0x77: {  	[sflag:s9] =	ssyncset.done $0x0  }
0x78: {  	[sflag:s9] =	ssyncadd.s32 $0xFFFFC000  }
0x79: {  	s22 =	simm.s32 $0x680;
	_ =	swait.ge [sflag:s10], $0x4000  }
0x7a: {  	s14 =	sadd.s32 $0x50000, s17;
	s15 =	sadd.s32 $0x280000, s15;
	[sflag:s10] =	ssyncset.done $0x0  }
0x7b: {  	s13 =	simm.s32 $0xA00;
	s5 =	sadd.s32 $0x50000, s18;
	[sflag:s10] =	ssyncadd.s32 $0xFFFFC000  }
0x7c: {  	[tilespmem:s30], [sflag:$0x5] =	stream.indirect.gather [hbm4b:s2+s23], $0x80, s22, s23, $0xb8;
	[tilespmem:$0x15900] =	vst v63  }
0x7d: {  	s21 =	smov.u32 s17;
	s16 =	sadd.s32 $0x50000, s16;
	s22 =	sadd.s32 $0x50000, s19  }
.LBB2_2:
0x7e: {  	[hbm4b:s21+s4] =	stream.linear.scatter [tilespmem:s0], [sflag:$0xB], $0x4000, $0x38;
	[tilespmem:$0x15900] =	vst v63  }
0x7f: {  	s18 =	smov.u32 s13;
	s21 =	smov.u32 s14  }
0x80: {  	p0 =	sne.s32 s13, $0x4600;
	s13 =	sadd.s32 $0xA00, s13;
	_ =	swait.ge [sflag:s31], $0x4000  }
0x81: {  	[sflag:s31] =	ssyncset.done $0x0  }
0x82: {  	[sflag:s31] =	ssyncadd.s32 $0xFFFFC000  }
0x83: {  	_ =	swait.ge [sflag:s11], $0x4000  }
0x84: {  	s18 =	sshra.s32 s18, $0x2;
	[sflag:s11] =	ssyncset.done $0x0  }
0x85: {  	s20 =	sshrl.u32 s15, $0x3;
	s19 =	sadd.s32 $0x480, s18;
	[sflag:s11] =	ssyncadd.s32 $0xFFFFC000  }
0x86: {  	[tilespmem:s0], [sflag:$0x6] =	stream.indirect.gather [hbm4b:s2+s23], $0x80, s19, s23, $0xb8;
	[tilespmem:$0x15900] =	vst v63  }
0x87: {  	s19 =	sadd.s32 s3, s20  }
0x88: {  	[hbm4b:s19+s4] =	stream.linear.scatter [tilespmem:s24], [sflag:$0x7], $0x4000, $0x38;
	[tilespmem:$0x15900] =	vst v63  }
0x89: {  	_ =	swait.ge [sflag:s26], $0x4000  }
0x8a: {  	[sflag:s26] =	ssyncset.done $0x0  }
0x8b: {  	[sflag:s26] =	ssyncadd.s32 $0xFFFFC000  }
0x8c: {  	_ =	swait.ge [sflag:s29], $0x4000  }
0x8d: {  	[sflag:s29] =	ssyncset.done $0x0  }
0x8e: {  	s19 =	sadd.s32 $0x500, s18;
	[sflag:s29] =	ssyncadd.s32 $0xFFFFC000  }
0x8f: {  	[tilespmem:s24], [sflag:$0x2] =	stream.indirect.gather [hbm4b:s2+s23], $0x80, s19, s23, $0xb8;
	[tilespmem:$0x15900] =	vst v63  }
0x90: {  	_ = 	snop  }
0x91: {  	[hbm4b:s22+s4] =	stream.linear.scatter [tilespmem:s25], [sflag:$0x8], $0x4000, $0x38;
	[tilespmem:$0x15900] =	vst v63  }
0x92: {  	_ =	swait.ge [sflag:s1], $0x4000  }
0x93: {  	[sflag:s1] =	ssyncset.done $0x0  }
0x94: {  	[sflag:s1] =	ssyncadd.s32 $0xFFFFC000  }
0x95: {  	_ =	swait.ge [sflag:s6], $0x4000  }
0x96: {  	[sflag:s6] =	ssyncset.done $0x0  }
0x97: {  	s19 =	sadd.s32 $0x580, s18;
	[sflag:s6] =	ssyncadd.s32 $0xFFFFC000  }
0x98: {  	[tilespmem:s25], [sflag:$0x3] =	stream.indirect.gather [hbm4b:s2+s23], $0x80, s19, s23, $0xb8;
	[tilespmem:$0x15900] =	vst v63  }
0x99: {  	_ = 	snop  }
0x9a: {  	[hbm4b:s5+s4] =	stream.linear.scatter [tilespmem:s28], [sflag:$0x9], $0x4000, $0x38;
	[tilespmem:$0x15900] =	vst v63  }
0x9b: {  	_ =	swait.ge [sflag:s7], $0x4000  }
0x9c: {  	[sflag:s7] =	ssyncset.done $0x0  }
0x9d: {  	[sflag:s7] =	ssyncadd.s32 $0xFFFFC000  }
0x9e: {  	_ =	swait.ge [sflag:s8], $0x4000  }
0x9f: {  	[sflag:s8] =	ssyncset.done $0x0  }
0xa0: {  	s19 =	sadd.s32 $0x600, s18;
	[sflag:s8] =	ssyncadd.s32 $0xFFFFC000  }
0xa1: {  	[tilespmem:s28], [sflag:$0x4] =	stream.indirect.gather [hbm4b:s2+s23], $0x80, s19, s23, $0xb8;
	[tilespmem:$0x15900] =	vst v63  }
0xa2: {  	_ = 	snop  }
0xa3: {  	[hbm4b:s16+s4] =	stream.linear.scatter [tilespmem:s30], [sflag:$0xA], $0x4000, $0x38;
	[tilespmem:$0x15900] =	vst v63  }
0xa4: {  	_ =	swait.ge [sflag:s9], $0x4000  }
0xa5: {  	[sflag:s9] =	ssyncset.done $0x0  }
0xa6: {  	[sflag:s9] =	ssyncadd.s32 $0xFFFFC000  }
.Ltmp0:
0xa7: {  	_ =	swait.ge [sflag:s10], $0x4000;
	(pc) =	sbr.rel @p0 .LBB2_2-.Ltmp0, $4  }
0xa8: {  	s14 =	sadd.s32 $0x50000, s14;
	[sflag:s10] =	ssyncset.done $0x0  }
0xa9: {  	s15 =	sadd.s32 $0x280000, s15;
	s18 =	sadd.s32 $0x680, s18;
	[sflag:s10] =	ssyncadd.s32 $0xFFFFC000  }
0xaa: {  	[tilespmem:s30], [sflag:$0x5] =	stream.indirect.gather [hbm4b:s2+s23], $0x80, s18, s23, $0xb8;
	[tilespmem:$0x15900] =	vst v63  }
0xab: {  	s22 =	sadd.s32 $0x50000, s22;
	s5 =	sadd.s32 $0x50000, s5;
	s16 =	sadd.s32 $0x50000, s16  }
0xac: {  	[hbm4b:s21+s4] =	stream.linear.scatter [tilespmem:s0], [sflag:$0xB], $0x4000, $0x38;
	[tilespmem:$0x15900] =	vst v63  }
0xad: {  	_ =	swait.ge [sflag:s31], $0x4000  }
0xae: {  	[sflag:s31] =	ssyncset.done $0x0  }
0xaf: {  	[sflag:s31] =	ssyncadd.s32 $0xFFFFC000  }
0xb0: {  	_ =	swait.ge [sflag:s11], $0x4000  }
0xb1: {  	[sflag:s11] =	ssyncset.done $0x0  }
0xb2: {  	s5 =	simm.s32 $0x1880;
	[sflag:s11] =	ssyncadd.s32 $0xFFFFC000  }
0xb3: {  	[tilespmem:s0], [sflag:$0x6] =	stream.indirect.gather [hbm4b:s2+s23], $0x80, s5, s23, $0xb8;
	[tilespmem:$0x15900] =	vst v63  }
0xb4: {  	s16 =	rddreg [dreg:$0xa]  }
0xb5: {  	[hbm4b:s16+s4] =	stream.linear.scatter [tilespmem:s24], [sflag:$0x7], $0x4000, $0x38;
	[tilespmem:$0x15900] =	vst v63  }
0xb6: {  	_ =	swait.ge [sflag:s26], $0x4000  }
0xb7: {  	[sflag:s26] =	ssyncset.done $0x0  }
0xb8: {  	s18 =	rddreg [dreg:$0xb];
	[sflag:s26] =	ssyncadd.s32 $0xFFFFC000  }
0xb9: {  	[hbm4b:s18+s4] =	stream.linear.scatter [tilespmem:s25], [sflag:$0x8], $0x4000, $0x38;
	[tilespmem:$0x15900] =	vst v63  }
0xba: {  	_ =	swait.ge [sflag:s1], $0x4000  }
0xbb: {  	[sflag:s1] =	ssyncset.done $0x0  }
0xbc: {  	s19 =	rddreg [dreg:$0xc];
	[sflag:s1] =	ssyncadd.s32 $0xFFFFC000  }
0xbd: {  	[hbm4b:s19+s4] =	stream.linear.scatter [tilespmem:s28], [sflag:$0x9], $0x4000, $0x38;
	[tilespmem:$0x15900] =	vst v63  }
0xbe: {  	_ =	swait.ge [sflag:s7], $0x4000  }
0xbf: {  	[sflag:s7] =	ssyncset.done $0x0  }
0xc0: {  	s20 =	rddreg [dreg:$0xd];
	[sflag:s7] =	ssyncadd.s32 $0xFFFFC000  }
0xc1: {  	[hbm4b:s20+s4] =	stream.linear.scatter [tilespmem:s30], [sflag:$0xA], $0x4000, $0x38;
	[tilespmem:$0x15900] =	vst v63  }
0xc2: {  	_ =	swait.ge [sflag:s9], $0x4000  }
0xc3: {  	[sflag:s9] =	ssyncset.done $0x0  }
0xc4: {  	s21 =	rddreg [dreg:$0xe];
	[sflag:s9] =	ssyncadd.s32 $0xFFFFC000  }
0xc5: {  	[hbm4b:s21+s4] =	stream.linear.scatter [tilespmem:s0], [sflag:$0xB], $0x4000, $0x38;
	[tilespmem:$0x15900] =	vst v63  }
0xc6: {  	_ =	swait.ge [sflag:s29], $0x4000  }
0xc7: {  	[sflag:s29] =	ssyncset.done $0x0  }
0xc8: {  	[sflag:s29] =	ssyncadd.s32 $0xFFFFC000  }
0xc9: {  	_ =	swait.ge [sflag:s6], $0x4000  }
0xca: {  	[sflag:s6] =	ssyncset.done $0x0  }
0xcb: {  	[sflag:s6] =	ssyncadd.s32 $0xFFFFC000  }
0xcc: {  	_ =	swait.ge [sflag:s8], $0x4000  }
0xcd: {  	[sflag:s8] =	ssyncset.done $0x0  }
0xce: {  	[sflag:s8] =	ssyncadd.s32 $0xFFFFC000  }
0xcf: {  	_ =	swait.ge [sflag:s10], $0x4000  }
0xd0: {  	[sflag:s10] =	ssyncset.done $0x0  }
0xd1: {  	[sflag:s10] =	ssyncadd.s32 $0xFFFFC000  }
0xd2: {  	_ =	swait.ge [sflag:s11], $0x4000  }
0xd3: {  	s12 =	sadd.s32 $0x1, s12;
	s22 =	rddreg [dreg:$0xf]  }
0xd4: {  	p0 =	sne.s32 s12, s22  }
.Ltmp1:
0xd5: {  	_ = 	snop;
	(pc) =	sbr.rel @p0 .LBB2_1-.Ltmp1, $3  }
0xd6: {  	_ =	sdelay $0x1  }
0xd7: {  	[sflag:s11] =	ssyncset.done $0x0  }
0xd8: {  	[sflag:s11] =	ssyncadd.s32 $0xFFFFC000  }
0xd9: {  	_ =	sfence.sel $0x180000  }
0xda: {  	[bflag:$0x0] =	sbarrier.arrive $0xFFFF  }
0xdb: {  	_ =	strace $0x90000047  }
0xdc: {  	s0 =	stileid.u32;
	[bflag:$0x2] =	sbarrier.arrive $0xFFFF  }
0xdd: {  	p0 =	sne.s32 s0, $0x0;
	s0 =	rddreg [dreg:$0x3]  }
0xde: {  	s0 =	sadd.s32 @!p0 $0x100000, s0  }
0xdf: {  	[sflag:s0] =	ssyncadd.tile.s32 @!p0 $0x1;
	_ =	shalt  }
.Lfunc_end2:
_tile_overlayer_lowered:
.L_overlay_start_2:
0xe0: {  	(tag) =	ssettag $0x2  }
0xe1: {  	s0 =	rddreg [dreg:$0x0];
	s2 =	stileid.u32  }
0xe2: {  	s1 =	rddreg [dreg:$0x1];
	p0 =	sne.s32 s2, $0x0  }
0xe3: {  	s3 =	rddreg [dreg:$0x2];
	[bflag:$0x3] =	sbarrier.arrive $0xFFFF;
	s2 =	simm.s32 @!p0 $0x1C0C  }
0xe4: {  	[timem:s3], [sflag:s2] =	dma.local @!p0 [hbm:s0], s1  }
0xe5: {  	s0 =	simm.s32 @!p0 $0xC  }
0xe6: {  	_ =	swait.ge @!p0 [sflag:s0], s1  }
0xe7: {  	s1 =	ssub.s32 @!p0 $0x0, s1;
	[sflag:s0] =	ssyncset.done @!p0 $0x0  }
0xe8: {  	[sflag:s0] =	ssyncadd.s32 @!p0 s1  }
0xe9: {  	[bflag:$0x3] =	sbarrier.arrive $0xFFFF  }
0xea: {  	_ =	shalt  }

</sc_bundles>
